<compile_context>
chip_gen: v7x
topology: tpu7x:2x2x1
jax: 0.10.2.dev20260603
libtpu: 0.0.44.dev20260713+nightly
codegen_flags: <defaults>
</compile_context>

<pallas_src>
import jax
import jax.numpy as jnp
from jax import lax
from jax.experimental import pallas as pl
from jax.experimental.pallas import tpu as pltpu
from jax.experimental.pallas import tpu_sc as plsc

NUM_TIMES = 288
NUM_WEEKDAYS = 7
TIME_DIM = 64
WEEKDAY_DIM = 64
MODEL_DIM = 512

NC = 2
NS = 16
NW = NC * NS

GROUPS = 16 * 12
GROUP = 512
TOKENS = GROUPS * GROUP
SC_GROUPS = 32
TC_GROUPS = GROUPS - SC_GROUPS
SC_TOKENS = SC_GROUPS * GROUP
ROWS_PER_W = SC_TOKENS // NW
CHUNK = 64
NBUF = 2
NCHUNK = ROWS_PER_W // CHUNK


def _tables_body(time_ref, wd_ref, tt_ref, wt_ref, wdt_ref, ww_ref,
                 c_ref, idx_ref, pt16_ref, pw_ref):
    p_time = jnp.dot(tt_ref[...], wt_ref[...],
                     preferred_element_type=jnp.float32)
    p_wd = jnp.dot(wdt_ref[...], ww_ref[...],
                   preferred_element_type=jnp.float32)
    c_ref[...] = p_time[:, None, :] + p_wd[None, :, :]
    idx_ref[...] = time_ref[...] * NUM_WEEKDAYS + wd_ref[...]
    pt16_ref[...] = p_time.astype(jnp.bfloat16)
    pw_ref[...] = p_wd


def _build_tables(time2d, wd2d, time_table, W_time, weekday_table, W_weekday):
    c3, idx, pt16, pw = pl.pallas_call(
        _tables_body,
        out_shape=[
            jax.ShapeDtypeStruct((NUM_TIMES, NUM_WEEKDAYS, MODEL_DIM),
                                 jnp.float32),
            jax.ShapeDtypeStruct(time2d.shape, jnp.int32),
            jax.ShapeDtypeStruct((NUM_TIMES, MODEL_DIM), jnp.bfloat16),
            jax.ShapeDtypeStruct((NUM_WEEKDAYS, MODEL_DIM), jnp.float32),
        ],
    )(time2d, wd2d, time_table, W_time, weekday_table, W_weekday)
    return (c3.reshape(NUM_TIMES * NUM_WEEKDAYS, MODEL_DIM),
            idx.reshape(-1), pt16, pw)


def _gather_body(c_hbm, idx_hbm, out_hbm, idx_v, bufs, gsems, wsems):
    wid = lax.axis_index("s") * NC + lax.axis_index("c")
    base = wid * ROWS_PER_W
    pltpu.sync_copy(idx_hbm.at[pl.ds(base, ROWS_PER_W)], idx_v)

    def gather(c, b):
        pltpu.async_copy(
            c_hbm.at[idx_v.at[pl.ds(c * CHUNK, CHUNK)]], bufs.at[b],
            gsems.at[b])

    def write(c, b):
        pltpu.async_copy(
            bufs.at[b], out_hbm.at[pl.ds(base + c * CHUNK, CHUNK)],
            wsems.at[b])

    def wait_gather(b):
        pltpu.make_async_copy(c_hbm.at[pl.ds(0, CHUNK)], bufs.at[b],
                              gsems.at[b]).wait()

    def wait_write(b):
        pltpu.make_async_copy(bufs.at[b], out_hbm.at[pl.ds(0, CHUNK)],
                              wsems.at[b]).wait()

    for b in range(NBUF):
        gather(b, b)

    def body(g):
        for b in range(NBUF):
            c = g + b
            wait_gather(b)
            write(c, b)
        for b in range(NBUF):
            nc = g + NBUF + b

            @pl.when(nc < NCHUNK)
            def _():
                wait_write(b)
                gather(nc, b)

    pl.loop(0, NCHUNK, step=NBUF)(body)
    for b in range(NBUF):
        wait_write(b)


def _sc_gather(combined, idx):
    mesh = plsc.VectorSubcoreMesh(core_axis_name="c", subcore_axis_name="s")
    run = pl.kernel(
        _gather_body,
        out_type=jax.ShapeDtypeStruct((TOKENS, MODEL_DIM), jnp.float32),
        mesh=mesh,
        scratch_types=[
            pltpu.VMEM((ROWS_PER_W,), jnp.int32),
            pltpu.VMEM((NBUF, CHUNK, MODEL_DIM), jnp.float32),
            pltpu.SemaphoreType.DMA((NBUF,)),
            pltpu.SemaphoreType.DMA((NBUF,)),
        ],
    )
    return run(combined, idx)


GB = 8
TC_STEPS = TC_GROUPS // GB


def _onehot_body(alias_ref, t_ref, wd_ref, pt_ref, pw_ref, out_ref):
    del alias_ref
    tvals = t_ref[0, 0]
    iota = lax.broadcasted_iota(jnp.int32, (GB * GROUP, NUM_TIMES), 1)
    oh = (tvals[:, None] == iota).astype(jnp.bfloat16)
    acc = jnp.dot(oh[:, :256], pt_ref[:256],
                  preferred_element_type=jnp.float32)
    acc = acc + jnp.dot(oh[:, 256:], pt_ref[256:],
                        preferred_element_type=jnp.float32)
    acc = acc.reshape(GB, GROUP, MODEL_DIM)
    wvals = wd_ref[0, 0]
    wdoh = (wvals[:, None] ==
            lax.broadcasted_iota(jnp.int32, (GB, NUM_WEEKDAYS), 1)
            ).astype(jnp.float32)
    rows = jnp.dot(wdoh, pw_ref[...],
                   preferred_element_type=jnp.float32)
    out_ref[0] = acc + rows[:, None, :]


def _tc_onehot(sc_out, time2d, wd2d, pt16, pw):
    out3 = sc_out.reshape(GROUPS // GB, GB, GROUP, MODEL_DIM)
    return pl.pallas_call(
        _onehot_body,
        grid=(TC_STEPS,),
        in_specs=[
            pl.BlockSpec(memory_space=pltpu.MemorySpace.HBM),
            pl.BlockSpec((1, 1, GB * GROUP),
                         lambda i: (i + SC_GROUPS // GB, 0, 0)),
            pl.BlockSpec((1, 1, GB), lambda i: (i + SC_GROUPS // GB, 0, 0)),
            pl.BlockSpec((NUM_TIMES, MODEL_DIM), lambda i: (0, 0)),
            pl.BlockSpec((NUM_WEEKDAYS, MODEL_DIM), lambda i: (0, 0)),
        ],
        out_specs=pl.BlockSpec((1, GB, GROUP, MODEL_DIM),
                               lambda i: (i + SC_GROUPS // GB, 0, 0, 0)),
        out_shape=jax.ShapeDtypeStruct((GROUPS // GB, GB, GROUP, MODEL_DIM),
                                       jnp.float32),
        input_output_aliases={0: 0},
    )(out3, time2d.reshape(GROUPS // GB, 1, GB * GROUP),
      wd2d.reshape(GROUPS // GB, 1, GB), pt16, pw)


@jax.jit
def kernel(time, weekday, time_table, W_time, weekday_table, W_weekday):
    B, T, N = time.shape
    time2d = time.reshape(B * T, N).astype(jnp.int32)
    wd2d = weekday.reshape(B * T, 1).astype(jnp.int32)
    combined, idx, pt16, pw = _build_tables(
        time2d, wd2d, time_table, W_time, weekday_table, W_weekday)
    sc_out = _sc_gather(combined, idx)
    out = _tc_onehot(sc_out, time2d, wd2d, pt16, pw)
    return out.reshape(B, T, N, MODEL_DIM)

# --- scband reference (transcript-rebuilt; emitter-appended) ---
"""Pipeline reference for scband-temporal-embedding-27324581937525 (READ-ONLY COPY).

The authoritative reference and input builder live on the scoring server;
editing this copy changes nothing except your own understanding.
"""

import jax, jax.numpy as jnp
import numpy as np

NUM_TIMES = 288
NUM_WEEKDAYS = 7
TIME_DIM = 64
WEEKDAY_DIM = 64
MODEL_DIM = 512

def setup_inputs(seed: int = 0) -> dict:
    key = jax.random.key(seed)
    k1, k2, k3, k4, k5, k6 = jax.random.split(key, 6)
    time = jax.random.randint(k1, (16, 12, 512), 0, NUM_TIMES, dtype=jnp.int64 if jax.config.jax_enable_x64 else jnp.int32)
    weekday = jax.random.randint(k2, (16, 12), 0, NUM_WEEKDAYS, dtype=jnp.int64 if jax.config.jax_enable_x64 else jnp.int32)
    time_table = jax.random.normal(k3, (NUM_TIMES, TIME_DIM), dtype=jnp.float32)
    W_time = jax.random.normal(k4, (TIME_DIM, MODEL_DIM), dtype=jnp.float32) * (1.0 / np.sqrt(TIME_DIM))
    weekday_table = jax.random.normal(k5, (NUM_WEEKDAYS, WEEKDAY_DIM), dtype=jnp.float32)
    W_weekday = jax.random.normal(k6, (WEEKDAY_DIM, MODEL_DIM), dtype=jnp.float32) * (1.0 / np.sqrt(WEEKDAY_DIM))
    return {"time": time, "weekday": weekday, "time_table": time_table, "W_time": W_time, "weekday_table": weekday_table, "W_weekday": W_weekday}

def reference(time, weekday, time_table, W_time, weekday_table, W_weekday):
    # Embedding (gather) -> Dropout (identity, eval mode) -> Linear (no bias)
    wd_emb = jnp.take(weekday_table, weekday, axis=0)            # [B, T, weekday_dim]
    wd = wd_emb @ W_weekday                                      # [B, T, model_dim]
    wd = jnp.expand_dims(wd, -2)                                 # [B, T, 1, model_dim]
    t_emb = jnp.take(time_table, time, axis=0)                   # [B, T, N, time_dim]
    t = t_emb @ W_time                                           # [B, T, N, model_dim]
    return t + wd

if __name__ == "__main__":
    import jax
    _d = setup_inputs()
    print(jax.jit(kernel)(*tuple(_d.values())))

</pallas_src>

<mosaic_0001>
#map = affine_map<(d0, d1) -> (0, 0)>
#map1 = affine_map<(d0, d1) -> (0)>
module attributes {stable_mosaic.version = 14 : i64} {
  func.func @_gather_body(%arg0: i32, %arg1: i32, %arg2: memref<2016x512xf32, #tpu.memory_space<hbm>>, %arg3: memref<98304xi32, #tpu.memory_space<hbm>>, %arg4: memref<98304x512xf32, #tpu.memory_space<hbm>>, %arg5: memref<512xi32, #tpu.memory_space<vmem>>, %arg6: memref<2x64x512xf32, #tpu.memory_space<vmem>>, %arg7: memref<2x!tpu.dma_semaphore, #tpu.memory_space<semaphore_mem>>, %arg8: memref<2x!tpu.dma_semaphore, #tpu.memory_space<semaphore_mem>>) attributes {dimension_semantics = [#tpu.dimension_semantics<core_parallel>, #tpu.dimension_semantics<subcore_parallel>], iteration_bounds = array<i64: 2, 16>, scalar_prefetch = 0 : i64, scratch_operands = 4 : i64, tpu.core_type = #tpu.core_type<sc_vector_subcore>, window_params = [{transform_indices = #map}, {transform_indices = #map1}, {transform_indices = #map}]} {
    %mul3A = arith.constant 2 : i32
    %mul3A_0 = arith.muli %arg1, %mul3A : i32
    %add3A = arith.addi %mul3A_0, %arg0 : i32
    %mul3A_1 = arith.constant 512 : i32
    %mul3A_2 = arith.muli %add3A, %mul3A_1 : i32
    "tpu.region"() ({
      %run_scoped3A = tpu.sem_alloc : memref<!tpu.dma_semaphore, #tpu.memory_space<semaphore_mem>>
      %dma_start3A_67 = tpu.memref_slice %arg3[%mul3A_2] : memref<98304xi32, #tpu.memory_space<hbm>> -> memref<512xi32, #tpu.memory_space<hbm>>
      %dma_start3A_68 = tpu.memref_slice %arg3[%mul3A_2] : memref<98304xi32, #tpu.memory_space<hbm>> -> memref<512xi32, #tpu.memory_space<hbm>>
      tpu.enqueue_dma source(%dma_start3A_68 : memref<512xi32, #tpu.memory_space<hbm>>) target(%arg5 : memref<512xi32, #tpu.memory_space<vmem>>) target_semaphore(%run_scoped3A : memref<!tpu.dma_semaphore, #tpu.memory_space<semaphore_mem>>)
      %dma_wait3A_69 = tpu.memref_slice %arg3[%mul3A_2] : memref<98304xi32, #tpu.memory_space<hbm>> -> memref<512xi32, #tpu.memory_space<hbm>>
      %dma_wait3A_70 = tpu.memref_slice %arg3[%mul3A_2] : memref<98304xi32, #tpu.memory_space<hbm>> -> memref<512xi32, #tpu.memory_space<hbm>>
      tpu.wait_dma2 semaphore(%run_scoped3A : memref<!tpu.dma_semaphore, #tpu.memory_space<semaphore_mem>>) src(%dma_wait3A_70 : memref<512xi32, #tpu.memory_space<hbm>>) dst(%arg5 : memref<512xi32, #tpu.memory_space<vmem>>)
      tpu.yield
    }) : () -> ()
    %dma_start3A = arith.constant 0 : i32
    %dma_start3A_3 = arith.constant 0 : i32
    %dma_start3A_4 = arith.constant 0 : i32
    %dma_start3A_5 = arith.constant 0 : i32
    %dma_start3A_6 = tpu.memref_slice %arg6[%dma_start3A, %dma_start3A_4, %dma_start3A_5] : memref<2x64x512xf32, #tpu.memory_space<vmem>> -> memref<1x64x512xf32, #tpu.memory_space<vmem>>
    %dma_start3A_7 = tpu.memref_squeeze %dma_start3A_6 : memref<1x64x512xf32, #tpu.memory_space<vmem>> -> memref<64x512xf32, #tpu.memory_space<vmem>>
    %dma_start3A_8 = arith.constant 0 : i32
    %dma_start3A_9 = tpu.memref_slice %arg5[%dma_start3A_8] : memref<512xi32, #tpu.memory_space<vmem>> -> memref<64xi32, #tpu.memory_space<vmem>>
    %dma_start3A_10 = arith.constant 0 : i32
    %dma_start3A_11 = arith.constant 0 : i32
    %dma_start3A_12 = tpu.memref_slice %arg2[%dma_start3A_10, %dma_start3A_11] : memref<2016x512xf32, #tpu.memory_space<hbm>> -> memref<2016x512xf32, #tpu.memory_space<hbm>>
    %dma_start3A_13 = tpu.memref_slice %arg7[%dma_start3A_3] : memref<2x!tpu.dma_semaphore, #tpu.memory_space<semaphore_mem>> -> memref<1x!tpu.dma_semaphore, #tpu.memory_space<semaphore_mem>>
    %dma_start3A_14 = tpu.memref_squeeze %dma_start3A_13 : memref<1x!tpu.dma_semaphore, #tpu.memory_space<semaphore_mem>> -> memref<!tpu.dma_semaphore, #tpu.memory_space<semaphore_mem>>
    tpu.enqueue_indirect_dma source(%dma_start3A_12 : memref<2016x512xf32, #tpu.memory_space<hbm>>) target(%dma_start3A_7 : memref<64x512xf32, #tpu.memory_space<vmem>>) offsets(%dma_start3A_9 : memref<64xi32, #tpu.memory_space<vmem>>) semaphore(%dma_start3A_14 : memref<!tpu.dma_semaphore, #tpu.memory_space<semaphore_mem>>)
    %dma_start3A_15 = arith.constant 1 : i32
    %dma_start3A_16 = arith.constant 1 : i32
    %dma_start3A_17 = arith.constant 0 : i32
    %dma_start3A_18 = arith.constant 0 : i32
    %dma_start3A_19 = tpu.memref_slice %arg6[%dma_start3A_15, %dma_start3A_17, %dma_start3A_18] : memref<2x64x512xf32, #tpu.memory_space<vmem>> -> memref<1x64x512xf32, #tpu.memory_space<vmem>>
    %dma_start3A_20 = tpu.memref_squeeze %dma_start3A_19 : memref<1x64x512xf32, #tpu.memory_space<vmem>> -> memref<64x512xf32, #tpu.memory_space<vmem>>
    %dma_start3A_21 = arith.constant 64 : i32
    %dma_start3A_22 = tpu.memref_slice %arg5[%dma_start3A_21] : memref<512xi32, #tpu.memory_space<vmem>> -> memref<64xi32, #tpu.memory_space<vmem>>
    %dma_start3A_23 = arith.constant 0 : i32
    %dma_start3A_24 = arith.constant 0 : i32
    %dma_start3A_25 = tpu.memref_slice %arg2[%dma_start3A_23, %dma_start3A_24] : memref<2016x512xf32, #tpu.memory_space<hbm>> -> memref<2016x512xf32, #tpu.memory_space<hbm>>
    %dma_start3A_26 = tpu.memref_slice %arg7[%dma_start3A_16] : memref<2x!tpu.dma_semaphore, #tpu.memory_space<semaphore_mem>> -> memref<1x!tpu.dma_semaphore, #tpu.memory_space<semaphore_mem>>
    %dma_start3A_27 = tpu.memref_squeeze %dma_start3A_26 : memref<1x!tpu.dma_semaphore, #tpu.memory_space<semaphore_mem>> -> memref<!tpu.dma_semaphore, #tpu.memory_space<semaphore_mem>>
    tpu.enqueue_indirect_dma source(%dma_start3A_25 : memref<2016x512xf32, #tpu.memory_space<hbm>>) target(%dma_start3A_20 : memref<64x512xf32, #tpu.memory_space<vmem>>) offsets(%dma_start3A_22 : memref<64xi32, #tpu.memory_space<vmem>>) semaphore(%dma_start3A_27 : memref<!tpu.dma_semaphore, #tpu.memory_space<semaphore_mem>>)
    %scan3A = arith.constant 0 : i32
    %scan3A_28 = arith.constant 4 : i32
    %scan3A_29 = arith.addi %scan3A, %scan3A_28 : i32
    %scan3A_30 = arith.constant 1 : i32
    scf.for %scan3A_67 = %scan3A to %scan3A_29 step %scan3A_30  : i32 {
      %mul3A_68 = arith.constant 2 : i32
      %mul3A_69 = arith.muli %scan3A_67, %mul3A_68 : i32
      %add3A_70 = arith.constant 0 : i32
      %add3A_71 = arith.addi %add3A_70, %mul3A_69 : i32
      %add3A_72 = arith.constant 0 : i32
      %add3A_73 = arith.addi %add3A_71, %add3A_72 : i32
      %dma_wait3A_74 = arith.constant 0 : i32
      %dma_wait3A_75 = arith.constant 0 : i32
      %dma_wait3A_76 = arith.constant 0 : i32
      %dma_wait3A_77 = arith.constant 0 : i32
      %dma_wait3A_78 = tpu.memref_slice %arg6[%dma_wait3A_74, %dma_wait3A_76, %dma_wait3A_77] : memref<2x64x512xf32, #tpu.memory_space<vmem>> -> memref<1x64x512xf32, #tpu.memory_space<vmem>>
      %dma_wait3A_79 = tpu.memref_squeeze %dma_wait3A_78 : memref<1x64x512xf32, #tpu.memory_space<vmem>> -> memref<64x512xf32, #tpu.memory_space<vmem>>
      %dma_wait3A_80 = arith.constant 0 : i32
      %dma_wait3A_81 = arith.constant 0 : i32
      %dma_wait3A_82 = tpu.memref_slice %arg2[%dma_wait3A_80, %dma_wait3A_81] : memref<2016x512xf32, #tpu.memory_space<hbm>> -> memref<64x512xf32, #tpu.memory_space<hbm>>
      %dma_wait3A_83 = tpu.memref_slice %arg7[%dma_wait3A_75] : memref<2x!tpu.dma_semaphore, #tpu.memory_space<semaphore_mem>> -> memref<1x!tpu.dma_semaphore, #tpu.memory_space<semaphore_mem>>
      %dma_wait3A_84 = tpu.memref_squeeze %dma_wait3A_83 : memref<1x!tpu.dma_semaphore, #tpu.memory_space<semaphore_mem>> -> memref<!tpu.dma_semaphore, #tpu.memory_space<semaphore_mem>>
      %dma_wait3A_85 = arith.constant 0 : i32
      %dma_wait3A_86 = arith.constant 0 : i32
      %dma_wait3A_87 = tpu.memref_slice %arg6[%dma_wait3A_74, %dma_wait3A_85, %dma_wait3A_86] : memref<2x64x512xf32, #tpu.memory_space<vmem>> -> memref<1x64x512xf32, #tpu.memory_space<vmem>>
      %dma_wait3A_88 = tpu.memref_squeeze %dma_wait3A_87 : memref<1x64x512xf32, #tpu.memory_space<vmem>> -> memref<64x512xf32, #tpu.memory_space<vmem>>
      %dma_wait3A_89 = arith.constant 0 : i32
      %dma_wait3A_90 = arith.constant 0 : i32
      %dma_wait3A_91 = tpu.memref_slice %arg2[%dma_wait3A_89, %dma_wait3A_90] : memref<2016x512xf32, #tpu.memory_space<hbm>> -> memref<64x512xf32, #tpu.memory_space<hbm>>
      tpu.wait_dma2 semaphore(%dma_wait3A_84 : memref<!tpu.dma_semaphore, #tpu.memory_space<semaphore_mem>>) src(%dma_wait3A_91 : memref<64x512xf32, #tpu.memory_space<hbm>>) dst(%dma_wait3A_88 : memref<64x512xf32, #tpu.memory_space<vmem>>)
      %mul3A_92 = arith.constant 64 : i32
      %mul3A_93 = arith.muli %add3A_73, %mul3A_92 : i32
      %add3A_94 = arith.addi %mul3A_2, %mul3A_93 : i32
      %dma_start3A_95 = arith.constant 0 : i32
      %dma_start3A_96 = arith.constant 0 : i32
      %dma_start3A_97 = arith.constant 0 : i32
      %dma_start3A_98 = arith.constant 0 : i32
      %dma_start3A_99 = tpu.memref_slice %arg6[%dma_start3A_95, %dma_start3A_97, %dma_start3A_98] : memref<2x64x512xf32, #tpu.memory_space<vmem>> -> memref<1x64x512xf32, #tpu.memory_space<vmem>>
      %dma_start3A_100 = tpu.memref_squeeze %dma_start3A_99 : memref<1x64x512xf32, #tpu.memory_space<vmem>> -> memref<64x512xf32, #tpu.memory_space<vmem>>
      %dma_start3A_101 = arith.constant 0 : i32
      %dma_start3A_102 = tpu.memref_slice %arg4[%add3A_94, %dma_start3A_101] : memref<98304x512xf32, #tpu.memory_space<hbm>> -> memref<64x512xf32, #tpu.memory_space<hbm>>
      %dma_start3A_103 = tpu.memref_slice %arg8[%dma_start3A_96] : memref<2x!tpu.dma_semaphore, #tpu.memory_space<semaphore_mem>> -> memref<1x!tpu.dma_semaphore, #tpu.memory_space<semaphore_mem>>
      %dma_start3A_104 = tpu.memref_squeeze %dma_start3A_103 : memref<1x!tpu.dma_semaphore, #tpu.memory_space<semaphore_mem>> -> memref<!tpu.dma_semaphore, #tpu.memory_space<semaphore_mem>>
      %dma_start3A_105 = arith.constant 0 : i32
      %dma_start3A_106 = tpu.memref_slice %arg4[%add3A_94, %dma_start3A_105] : memref<98304x512xf32, #tpu.memory_space<hbm>> -> memref<64x512xf32, #tpu.memory_space<hbm>>
      %dma_start3A_107 = arith.constant 0 : i32
      %dma_start3A_108 = arith.constant 0 : i32
      %dma_start3A_109 = tpu.memref_slice %arg6[%dma_start3A_95, %dma_start3A_107, %dma_start3A_108] : memref<2x64x512xf32, #tpu.memory_space<vmem>> -> memref<1x64x512xf32, #tpu.memory_space<vmem>>
      %dma_start3A_110 = tpu.memref_squeeze %dma_start3A_109 : memref<1x64x512xf32, #tpu.memory_space<vmem>> -> memref<64x512xf32, #tpu.memory_space<vmem>>
      tpu.enqueue_dma source(%dma_start3A_110 : memref<64x512xf32, #tpu.memory_space<vmem>>) target(%dma_start3A_106 : memref<64x512xf32, #tpu.memory_space<hbm>>) target_semaphore(%dma_start3A_104 : memref<!tpu.dma_semaphore, #tpu.memory_space<semaphore_mem>>)
      %add3A_111 = arith.constant 1 : i32
      %add3A_112 = arith.addi %add3A_71, %add3A_111 : i32
      %dma_wait3A_113 = arith.constant 1 : i32
      %dma_wait3A_114 = arith.constant 1 : i32
      %dma_wait3A_115 = arith.constant 0 : i32
      %dma_wait3A_116 = arith.constant 0 : i32
      %dma_wait3A_117 = tpu.memref_slice %arg6[%dma_wait3A_113, %dma_wait3A_115, %dma_wait3A_116] : memref<2x64x512xf32, #tpu.memory_space<vmem>> -> memref<1x64x512xf32, #tpu.memory_space<vmem>>
      %dma_wait3A_118 = tpu.memref_squeeze %dma_wait3A_117 : memref<1x64x512xf32, #tpu.memory_space<vmem>> -> memref<64x512xf32, #tpu.memory_space<vmem>>
      %dma_wait3A_119 = arith.constant 0 : i32
      %dma_wait3A_120 = arith.constant 0 : i32
      %dma_wait3A_121 = tpu.memref_slice %arg2[%dma_wait3A_119, %dma_wait3A_120] : memref<2016x512xf32, #tpu.memory_space<hbm>> -> memref<64x512xf32, #tpu.memory_space<hbm>>
      %dma_wait3A_122 = tpu.memref_slice %arg7[%dma_wait3A_114] : memref<2x!tpu.dma_semaphore, #tpu.memory_space<semaphore_mem>> -> memref<1x!tpu.dma_semaphore, #tpu.memory_space<semaphore_mem>>
      %dma_wait3A_123 = tpu.memref_squeeze %dma_wait3A_122 : memref<1x!tpu.dma_semaphore, #tpu.memory_space<semaphore_mem>> -> memref<!tpu.dma_semaphore, #tpu.memory_space<semaphore_mem>>
      %dma_wait3A_124 = arith.constant 0 : i32
      %dma_wait3A_125 = arith.constant 0 : i32
      %dma_wait3A_126 = tpu.memref_slice %arg6[%dma_wait3A_113, %dma_wait3A_124, %dma_wait3A_125] : memref<2x64x512xf32, #tpu.memory_space<vmem>> -> memref<1x64x512xf32, #tpu.memory_space<vmem>>
      %dma_wait3A_127 = tpu.memref_squeeze %dma_wait3A_126 : memref<1x64x512xf32, #tpu.memory_space<vmem>> -> memref<64x512xf32, #tpu.memory_space<vmem>>
      %dma_wait3A_128 = arith.constant 0 : i32
      %dma_wait3A_129 = arith.constant 0 : i32
      %dma_wait3A_130 = tpu.memref_slice %arg2[%dma_wait3A_128, %dma_wait3A_129] : memref<2016x512xf32, #tpu.memory_space<hbm>> -> memref<64x512xf32, #tpu.memory_space<hbm>>
      tpu.wait_dma2 semaphore(%dma_wait3A_123 : memref<!tpu.dma_semaphore, #tpu.memory_space<semaphore_mem>>) src(%dma_wait3A_130 : memref<64x512xf32, #tpu.memory_space<hbm>>) dst(%dma_wait3A_127 : memref<64x512xf32, #tpu.memory_space<vmem>>)
      %mul3A_131 = arith.constant 64 : i32
      %mul3A_132 = arith.muli %add3A_112, %mul3A_131 : i32
      %add3A_133 = arith.addi %mul3A_2, %mul3A_132 : i32
      %dma_start3A_134 = arith.constant 1 : i32
      %dma_start3A_135 = arith.constant 1 : i32
      %dma_start3A_136 = arith.constant 0 : i32
      %dma_start3A_137 = arith.constant 0 : i32
      %dma_start3A_138 = tpu.memref_slice %arg6[%dma_start3A_134, %dma_start3A_136, %dma_start3A_137] : memref<2x64x512xf32, #tpu.memory_space<vmem>> -> memref<1x64x512xf32, #tpu.memory_space<vmem>>
      %dma_start3A_139 = tpu.memref_squeeze %dma_start3A_138 : memref<1x64x512xf32, #tpu.memory_space<vmem>> -> memref<64x512xf32, #tpu.memory_space<vmem>>
      %dma_start3A_140 = arith.constant 0 : i32
      %dma_start3A_141 = tpu.memref_slice %arg4[%add3A_133, %dma_start3A_140] : memref<98304x512xf32, #tpu.memory_space<hbm>> -> memref<64x512xf32, #tpu.memory_space<hbm>>
      %dma_start3A_142 = tpu.memref_slice %arg8[%dma_start3A_135] : memref<2x!tpu.dma_semaphore, #tpu.memory_space<semaphore_mem>> -> memref<1x!tpu.dma_semaphore, #tpu.memory_space<semaphore_mem>>
      %dma_start3A_143 = tpu.memref_squeeze %dma_start3A_142 : memref<1x!tpu.dma_semaphore, #tpu.memory_space<semaphore_mem>> -> memref<!tpu.dma_semaphore, #tpu.memory_space<semaphore_mem>>
      %dma_start3A_144 = arith.constant 0 : i32
      %dma_start3A_145 = tpu.memref_slice %arg4[%add3A_133, %dma_start3A_144] : memref<98304x512xf32, #tpu.memory_space<hbm>> -> memref<64x512xf32, #tpu.memory_space<hbm>>
      %dma_start3A_146 = arith.constant 0 : i32
      %dma_start3A_147 = arith.constant 0 : i32
      %dma_start3A_148 = tpu.memref_slice %arg6[%dma_start3A_134, %dma_start3A_146, %dma_start3A_147] : memref<2x64x512xf32, #tpu.memory_space<vmem>> -> memref<1x64x512xf32, #tpu.memory_space<vmem>>
      %dma_start3A_149 = tpu.memref_squeeze %dma_start3A_148 : memref<1x64x512xf32, #tpu.memory_space<vmem>> -> memref<64x512xf32, #tpu.memory_space<vmem>>
      tpu.enqueue_dma source(%dma_start3A_149 : memref<64x512xf32, #tpu.memory_space<vmem>>) target(%dma_start3A_145 : memref<64x512xf32, #tpu.memory_space<hbm>>) target_semaphore(%dma_start3A_143 : memref<!tpu.dma_semaphore, #tpu.memory_space<semaphore_mem>>)
      %add3A_150 = arith.constant 2 : i32
      %add3A_151 = arith.addi %add3A_71, %add3A_150 : i32
      %add3A_152 = arith.constant 0 : i32
      %add3A_153 = arith.addi %add3A_151, %add3A_152 : i32
      %lt3A = arith.constant 8 : i32
      %lt3A_154 = arith.cmpi slt, %add3A_153, %lt3A : i32
      %convert_element_type3A = arith.extui %lt3A_154 : i1 to i32
      %cond3A = arith.constant 0 : i32
      %cond3A_155 = arith.cmpi ne, %convert_element_type3A, %cond3A : i32
      scf.if %cond3A_155 {
        %dma_wait3A_165 = arith.constant 0 : i32
        %dma_wait3A_166 = arith.constant 0 : i32
        %dma_wait3A_167 = arith.constant 0 : i32
        %dma_wait3A_168 = arith.constant 0 : i32
        %dma_wait3A_169 = tpu.memref_slice %arg6[%dma_wait3A_165, %dma_wait3A_167, %dma_wait3A_168] : memref<2x64x512xf32, #tpu.memory_space<vmem>> -> memref<1x64x512xf32, #tpu.memory_space<vmem>>
        %dma_wait3A_170 = tpu.memref_squeeze %dma_wait3A_169 : memref<1x64x512xf32, #tpu.memory_space<vmem>> -> memref<64x512xf32, #tpu.memory_space<vmem>>
        %dma_wait3A_171 = arith.constant 0 : i32
        %dma_wait3A_172 = arith.constant 0 : i32
        %dma_wait3A_173 = tpu.memref_slice %arg4[%dma_wait3A_171, %dma_wait3A_172] : memref<98304x512xf32, #tpu.memory_space<hbm>> -> memref<64x512xf32, #tpu.memory_space<hbm>>
        %dma_wait3A_174 = tpu.memref_slice %arg8[%dma_wait3A_166] : memref<2x!tpu.dma_semaphore, #tpu.memory_space<semaphore_mem>> -> memref<1x!tpu.dma_semaphore, #tpu.memory_space<semaphore_mem>>
        %dma_wait3A_175 = tpu.memref_squeeze %dma_wait3A_174 : memref<1x!tpu.dma_semaphore, #tpu.memory_space<semaphore_mem>> -> memref<!tpu.dma_semaphore, #tpu.memory_space<semaphore_mem>>
        %dma_wait3A_176 = arith.constant 0 : i32
        %dma_wait3A_177 = arith.constant 0 : i32
        %dma_wait3A_178 = tpu.memref_slice %arg4[%dma_wait3A_176, %dma_wait3A_177] : memref<98304x512xf32, #tpu.memory_space<hbm>> -> memref<64x512xf32, #tpu.memory_space<hbm>>
        %dma_wait3A_179 = arith.constant 0 : i32
        %dma_wait3A_180 = arith.constant 0 : i32
        %dma_wait3A_181 = tpu.memref_slice %arg6[%dma_wait3A_165, %dma_wait3A_179, %dma_wait3A_180] : memref<2x64x512xf32, #tpu.memory_space<vmem>> -> memref<1x64x512xf32, #tpu.memory_space<vmem>>
        %dma_wait3A_182 = tpu.memref_squeeze %dma_wait3A_181 : memref<1x64x512xf32, #tpu.memory_space<vmem>> -> memref<64x512xf32, #tpu.memory_space<vmem>>
        tpu.wait_dma2 semaphore(%dma_wait3A_175 : memref<!tpu.dma_semaphore, #tpu.memory_space<semaphore_mem>>) src(%dma_wait3A_182 : memref<64x512xf32, #tpu.memory_space<vmem>>) dst(%dma_wait3A_178 : memref<64x512xf32, #tpu.memory_space<hbm>>)
        %mul3A_183 = arith.constant 64 : i32
        %mul3A_184 = arith.muli %add3A_153, %mul3A_183 : i32
        %dma_start3A_185 = arith.constant 0 : i32
        %dma_start3A_186 = arith.constant 0 : i32
        %dma_start3A_187 = arith.constant 0 : i32
        %dma_start3A_188 = arith.constant 0 : i32
        %dma_start3A_189 = tpu.memref_slice %arg6[%dma_start3A_185, %dma_start3A_187, %dma_start3A_188] : memref<2x64x512xf32, #tpu.memory_space<vmem>> -> memref<1x64x512xf32, #tpu.memory_space<vmem>>
        %dma_start3A_190 = tpu.memref_squeeze %dma_start3A_189 : memref<1x64x512xf32, #tpu.memory_space<vmem>> -> memref<64x512xf32, #tpu.memory_space<vmem>>
        %dma_start3A_191 = tpu.memref_slice %arg5[%mul3A_184] : memref<512xi32, #tpu.memory_space<vmem>> -> memref<64xi32, #tpu.memory_space<vmem>>
        %dma_start3A_192 = arith.constant 0 : i32
        %dma_start3A_193 = arith.constant 0 : i32
        %dma_start3A_194 = tpu.memref_slice %arg2[%dma_start3A_192, %dma_start3A_193] : memref<2016x512xf32, #tpu.memory_space<hbm>> -> memref<2016x512xf32, #tpu.memory_space<hbm>>
        %dma_start3A_195 = tpu.memref_slice %arg7[%dma_start3A_186] : memref<2x!tpu.dma_semaphore, #tpu.memory_space<semaphore_mem>> -> memref<1x!tpu.dma_semaphore, #tpu.memory_space<semaphore_mem>>
        %dma_start3A_196 = tpu.memref_squeeze %dma_start3A_195 : memref<1x!tpu.dma_semaphore, #tpu.memory_space<semaphore_mem>> -> memref<!tpu.dma_semaphore, #tpu.memory_space<semaphore_mem>>
        tpu.enqueue_indirect_dma source(%dma_start3A_194 : memref<2016x512xf32, #tpu.memory_space<hbm>>) target(%dma_start3A_190 : memref<64x512xf32, #tpu.memory_space<vmem>>) offsets(%dma_start3A_191 : memref<64xi32, #tpu.memory_space<vmem>>) semaphore(%dma_start3A_196 : memref<!tpu.dma_semaphore, #tpu.memory_space<semaphore_mem>>)
      } else {
      }
      %add3A_156 = arith.constant 2 : i32
      %add3A_157 = arith.addi %add3A_71, %add3A_156 : i32
      %add3A_158 = arith.constant 1 : i32
      %add3A_159 = arith.addi %add3A_157, %add3A_158 : i32
      %lt3A_160 = arith.constant 8 : i32
      %lt3A_161 = arith.cmpi slt, %add3A_159, %lt3A_160 : i32
      %convert_element_type3A_162 = arith.extui %lt3A_161 : i1 to i32
      %cond3A_163 = arith.constant 0 : i32
      %cond3A_164 = arith.cmpi ne, %convert_element_type3A_162, %cond3A_163 : i32
      scf.if %cond3A_164 {
        %dma_wait3A_165 = arith.constant 1 : i32
        %dma_wait3A_166 = arith.constant 1 : i32
        %dma_wait3A_167 = arith.constant 0 : i32
        %dma_wait3A_168 = arith.constant 0 : i32
        %dma_wait3A_169 = tpu.memref_slice %arg6[%dma_wait3A_165, %dma_wait3A_167, %dma_wait3A_168] : memref<2x64x512xf32, #tpu.memory_space<vmem>> -> memref<1x64x512xf32, #tpu.memory_space<vmem>>
        %dma_wait3A_170 = tpu.memref_squeeze %dma_wait3A_169 : memref<1x64x512xf32, #tpu.memory_space<vmem>> -> memref<64x512xf32, #tpu.memory_space<vmem>>
        %dma_wait3A_171 = arith.constant 0 : i32
        %dma_wait3A_172 = arith.constant 0 : i32
        %dma_wait3A_173 = tpu.memref_slice %arg4[%dma_wait3A_171, %dma_wait3A_172] : memref<98304x512xf32, #tpu.memory_space<hbm>> -> memref<64x512xf32, #tpu.memory_space<hbm>>
        %dma_wait3A_174 = tpu.memref_slice %arg8[%dma_wait3A_166] : memref<2x!tpu.dma_semaphore, #tpu.memory_space<semaphore_mem>> -> memref<1x!tpu.dma_semaphore, #tpu.memory_space<semaphore_mem>>
        %dma_wait3A_175 = tpu.memref_squeeze %dma_wait3A_174 : memref<1x!tpu.dma_semaphore, #tpu.memory_space<semaphore_mem>> -> memref<!tpu.dma_semaphore, #tpu.memory_space<semaphore_mem>>
        %dma_wait3A_176 = arith.constant 0 : i32
        %dma_wait3A_177 = arith.constant 0 : i32
        %dma_wait3A_178 = tpu.memref_slice %arg4[%dma_wait3A_176, %dma_wait3A_177] : memref<98304x512xf32, #tpu.memory_space<hbm>> -> memref<64x512xf32, #tpu.memory_space<hbm>>
        %dma_wait3A_179 = arith.constant 0 : i32
        %dma_wait3A_180 = arith.constant 0 : i32
        %dma_wait3A_181 = tpu.memref_slice %arg6[%dma_wait3A_165, %dma_wait3A_179, %dma_wait3A_180] : memref<2x64x512xf32, #tpu.memory_space<vmem>> -> memref<1x64x512xf32, #tpu.memory_space<vmem>>
        %dma_wait3A_182 = tpu.memref_squeeze %dma_wait3A_181 : memref<1x64x512xf32, #tpu.memory_space<vmem>> -> memref<64x512xf32, #tpu.memory_space<vmem>>
        tpu.wait_dma2 semaphore(%dma_wait3A_175 : memref<!tpu.dma_semaphore, #tpu.memory_space<semaphore_mem>>) src(%dma_wait3A_182 : memref<64x512xf32, #tpu.memory_space<vmem>>) dst(%dma_wait3A_178 : memref<64x512xf32, #tpu.memory_space<hbm>>)
        %mul3A_183 = arith.constant 64 : i32
        %mul3A_184 = arith.muli %add3A_159, %mul3A_183 : i32
        %dma_start3A_185 = arith.constant 1 : i32
        %dma_start3A_186 = arith.constant 1 : i32
        %dma_start3A_187 = arith.constant 0 : i32
        %dma_start3A_188 = arith.constant 0 : i32
        %dma_start3A_189 = tpu.memref_slice %arg6[%dma_start3A_185, %dma_start3A_187, %dma_start3A_188] : memref<2x64x512xf32, #tpu.memory_space<vmem>> -> memref<1x64x512xf32, #tpu.memory_space<vmem>>
        %dma_start3A_190 = tpu.memref_squeeze %dma_start3A_189 : memref<1x64x512xf32, #tpu.memory_space<vmem>> -> memref<64x512xf32, #tpu.memory_space<vmem>>
        %dma_start3A_191 = tpu.memref_slice %arg5[%mul3A_184] : memref<512xi32, #tpu.memory_space<vmem>> -> memref<64xi32, #tpu.memory_space<vmem>>
        %dma_start3A_192 = arith.constant 0 : i32
        %dma_start3A_193 = arith.constant 0 : i32
        %dma_start3A_194 = tpu.memref_slice %arg2[%dma_start3A_192, %dma_start3A_193] : memref<2016x512xf32, #tpu.memory_space<hbm>> -> memref<2016x512xf32, #tpu.memory_space<hbm>>
        %dma_start3A_195 = tpu.memref_slice %arg7[%dma_start3A_186] : memref<2x!tpu.dma_semaphore, #tpu.memory_space<semaphore_mem>> -> memref<1x!tpu.dma_semaphore, #tpu.memory_space<semaphore_mem>>
        %dma_start3A_196 = tpu.memref_squeeze %dma_start3A_195 : memref<1x!tpu.dma_semaphore, #tpu.memory_space<semaphore_mem>> -> memref<!tpu.dma_semaphore, #tpu.memory_space<semaphore_mem>>
        tpu.enqueue_indirect_dma source(%dma_start3A_194 : memref<2016x512xf32, #tpu.memory_space<hbm>>) target(%dma_start3A_190 : memref<64x512xf32, #tpu.memory_space<vmem>>) offsets(%dma_start3A_191 : memref<64xi32, #tpu.memory_space<vmem>>) semaphore(%dma_start3A_196 : memref<!tpu.dma_semaphore, #tpu.memory_space<semaphore_mem>>)
      } else {
      }
    }
    %scan3A_31 = arith.constant 4 : i32
    %dma_wait3A = arith.constant 0 : i32
    %dma_wait3A_32 = arith.constant 0 : i32
    %dma_wait3A_33 = arith.constant 0 : i32
    %dma_wait3A_34 = arith.constant 0 : i32
    %dma_wait3A_35 = tpu.memref_slice %arg6[%dma_wait3A, %dma_wait3A_33, %dma_wait3A_34] : memref<2x64x512xf32, #tpu.memory_space<vmem>> -> memref<1x64x512xf32, #tpu.memory_space<vmem>>
    %dma_wait3A_36 = tpu.memref_squeeze %dma_wait3A_35 : memref<1x64x512xf32, #tpu.memory_space<vmem>> -> memref<64x512xf32, #tpu.memory_space<vmem>>
    %dma_wait3A_37 = arith.constant 0 : i32
    %dma_wait3A_38 = arith.constant 0 : i32
    %dma_wait3A_39 = tpu.memref_slice %arg4[%dma_wait3A_37, %dma_wait3A_38] : memref<98304x512xf32, #tpu.memory_space<hbm>> -> memref<64x512xf32, #tpu.memory_space<hbm>>
    %dma_wait3A_40 = tpu.memref_slice %arg8[%dma_wait3A_32] : memref<2x!tpu.dma_semaphore, #tpu.memory_space<semaphore_mem>> -> memref<1x!tpu.dma_semaphore, #tpu.memory_space<semaphore_mem>>
    %dma_wait3A_41 = tpu.memref_squeeze %dma_wait3A_40 : memref<1x!tpu.dma_semaphore, #tpu.memory_space<semaphore_mem>> -> memref<!tpu.dma_semaphore, #tpu.memory_space<semaphore_mem>>
    %dma_wait3A_42 = arith.constant 0 : i32
    %dma_wait3A_43 = arith.constant 0 : i32
    %dma_wait3A_44 = tpu.memref_slice %arg4[%dma_wait3A_42, %dma_wait3A_43] : memref<98304x512xf32, #tpu.memory_space<hbm>> -> memref<64x512xf32, #tpu.memory_space<hbm>>
    %dma_wait3A_45 = arith.constant 0 : i32
    %dma_wait3A_46 = arith.constant 0 : i32
    %dma_wait3A_47 = tpu.memref_slice %arg6[%dma_wait3A, %dma_wait3A_45, %dma_wait3A_46] : memref<2x64x512xf32, #tpu.memory_space<vmem>> -> memref<1x64x512xf32, #tpu.memory_space<vmem>>
    %dma_wait3A_48 = tpu.memref_squeeze %dma_wait3A_47 : memref<1x64x512xf32, #tpu.memory_space<vmem>> -> memref<64x512xf32, #tpu.memory_space<vmem>>
    tpu.wait_dma2 semaphore(%dma_wait3A_41 : memref<!tpu.dma_semaphore, #tpu.memory_space<semaphore_mem>>) src(%dma_wait3A_48 : memref<64x512xf32, #tpu.memory_space<vmem>>) dst(%dma_wait3A_44 : memref<64x512xf32, #tpu.memory_space<hbm>>)
    %dma_wait3A_49 = arith.constant 1 : i32
    %dma_wait3A_50 = arith.constant 1 : i32
    %dma_wait3A_51 = arith.constant 0 : i32
    %dma_wait3A_52 = arith.constant 0 : i32
    %dma_wait3A_53 = tpu.memref_slice %arg6[%dma_wait3A_49, %dma_wait3A_51, %dma_wait3A_52] : memref<2x64x512xf32, #tpu.memory_space<vmem>> -> memref<1x64x512xf32, #tpu.memory_space<vmem>>
    %dma_wait3A_54 = tpu.memref_squeeze %dma_wait3A_53 : memref<1x64x512xf32, #tpu.memory_space<vmem>> -> memref<64x512xf32, #tpu.memory_space<vmem>>
    %dma_wait3A_55 = arith.constant 0 : i32
    %dma_wait3A_56 = arith.constant 0 : i32
    %dma_wait3A_57 = tpu.memref_slice %arg4[%dma_wait3A_55, %dma_wait3A_56] : memref<98304x512xf32, #tpu.memory_space<hbm>> -> memref<64x512xf32, #tpu.memory_space<hbm>>
    %dma_wait3A_58 = tpu.memref_slice %arg8[%dma_wait3A_50] : memref<2x!tpu.dma_semaphore, #tpu.memory_space<semaphore_mem>> -> memref<1x!tpu.dma_semaphore, #tpu.memory_space<semaphore_mem>>
    %dma_wait3A_59 = tpu.memref_squeeze %dma_wait3A_58 : memref<1x!tpu.dma_semaphore, #tpu.memory_space<semaphore_mem>> -> memref<!tpu.dma_semaphore, #tpu.memory_space<semaphore_mem>>
    %dma_wait3A_60 = arith.constant 0 : i32
    %dma_wait3A_61 = arith.constant 0 : i32
    %dma_wait3A_62 = tpu.memref_slice %arg4[%dma_wait3A_60, %dma_wait3A_61] : memref<98304x512xf32, #tpu.memory_space<hbm>> -> memref<64x512xf32, #tpu.memory_space<hbm>>
    %dma_wait3A_63 = arith.constant 0 : i32
    %dma_wait3A_64 = arith.constant 0 : i32
    %dma_wait3A_65 = tpu.memref_slice %arg6[%dma_wait3A_49, %dma_wait3A_63, %dma_wait3A_64] : memref<2x64x512xf32, #tpu.memory_space<vmem>> -> memref<1x64x512xf32, #tpu.memory_space<vmem>>
    %dma_wait3A_66 = tpu.memref_squeeze %dma_wait3A_65 : memref<1x64x512xf32, #tpu.memory_space<vmem>> -> memref<64x512xf32, #tpu.memory_space<vmem>>
    tpu.wait_dma2 semaphore(%dma_wait3A_59 : memref<!tpu.dma_semaphore, #tpu.memory_space<semaphore_mem>>) src(%dma_wait3A_66 : memref<64x512xf32, #tpu.memory_space<vmem>>) dst(%dma_wait3A_62 : memref<64x512xf32, #tpu.memory_space<hbm>>)
    return
  }
}

module attributes {stable_mosaic.version = 14 : i64} {
  func.func @_tables_body(%arg0: memref<192x512xi32, #tpu.memory_space<vmem>>, %arg1: memref<192x1xi32, #tpu.memory_space<vmem>>, %arg2: memref<288x64xf32, #tpu.memory_space<vmem>>, %arg3: memref<64x512xf32, #tpu.memory_space<vmem>>, %arg4: memref<7x64xf32, #tpu.memory_space<vmem>>, %arg5: memref<64x512xf32, #tpu.memory_space<vmem>>, %arg6: memref<288x7x512xf32, #tpu.memory_space<vmem>>, %arg7: memref<192x512xi32, #tpu.memory_space<vmem>>, %arg8: memref<288x512xbf16, #tpu.memory_space<vmem>>, %arg9: memref<7x512xf32, #tpu.memory_space<vmem>>) attributes {dimension_semantics = [], scalar_prefetch = 0 : i64, scratch_operands = 0 : i64, tpu.core_type = #tpu.core_type<tc>} {
    %get3A = arith.constant 0 : index
    %get3A_0 = arith.constant 0 : index
    %get3A_1 = vector.load %arg2[%get3A, %get3A_0] : memref<288x64xf32, #tpu.memory_space<vmem>>, vector<288x64xf32>
    %get3A_2 = arith.constant 0 : index
    %get3A_3 = arith.constant 0 : index
    %get3A_4 = vector.load %arg3[%get3A_2, %get3A_3] : memref<64x512xf32, #tpu.memory_space<vmem>>, vector<64x512xf32>
    %dot_general3A = arith.constant dense<0.000000e+00> : vector<288x512xf32>
    %dot_general3A_5 = tpu.matmul %get3A_1, %get3A_4, %dot_general3A {dimension_numbers = #tpu.dot_dimension_numbers<[1], [0], [0], [1], [0, 0, 1, 1], [], []>, transpose_lhs_hint = false} : vector<288x64xf32>, vector<64x512xf32>, vector<288x512xf32> -> vector<288x512xf32>
    %get3A_6 = arith.constant 0 : index
    %get3A_7 = arith.constant 0 : index
    %get3A_8 = vector.load %arg4[%get3A_6, %get3A_7] : memref<7x64xf32, #tpu.memory_space<vmem>>, vector<7x64xf32>
    %get3A_9 = arith.constant 0 : index
    %get3A_10 = arith.constant 0 : index
    %get3A_11 = vector.load %arg5[%get3A_9, %get3A_10] : memref<64x512xf32, #tpu.memory_space<vmem>>, vector<64x512xf32>
    %dot_general3A_12 = arith.constant dense<0.000000e+00> : vector<7x512xf32>
    %dot_general3A_13 = tpu.matmul %get3A_8, %get3A_11, %dot_general3A_12 {dimension_numbers = #tpu.dot_dimension_numbers<[1], [0], [0], [1], [0, 0, 1, 1], [], []>, transpose_lhs_hint = false} : vector<7x64xf32>, vector<64x512xf32>, vector<7x512xf32> -> vector<7x512xf32>
    %broadcast_in_dim3A = vector.shape_cast %dot_general3A_5 : vector<288x512xf32> to vector<288x1x512xf32>
    %broadcast_in_dim3A_14 = vector.shape_cast %dot_general3A_13 : vector<7x512xf32> to vector<1x7x512xf32>
    %add3A = vector.broadcast %broadcast_in_dim3A : vector<288x1x512xf32> to vector<288x7x512xf32>
    %add3A_15 = vector.broadcast %broadcast_in_dim3A_14 : vector<1x7x512xf32> to vector<288x7x512xf32>
    %add3A_16 = arith.addf %add3A, %add3A_15 : vector<288x7x512xf32>
    %swap3A = arith.constant 0 : index
    %swap3A_17 = arith.constant 0 : index
    %swap3A_18 = arith.constant 0 : index
    %swap3A_19 = vector.load %arg6[%swap3A, %swap3A_17, %swap3A_18] : memref<288x7x512xf32, #tpu.memory_space<vmem>>, vector<288x7x512xf32>
    tpu.vector_store %arg6[%swap3A, %swap3A_17, %swap3A_18], %add3A_16 {strides = array<i32>} : memref<288x7x512xf32, #tpu.memory_space<vmem>>, vector<288x7x512xf32>,
    %get3A_20 = arith.constant 0 : index
    %get3A_21 = arith.constant 0 : index
    %get3A_22 = vector.load %arg0[%get3A_20, %get3A_21] : memref<192x512xi32, #tpu.memory_space<vmem>>, vector<192x512xi32>
    %mul3A = arith.constant 7 : i32
    %mul3A_23 = vector.broadcast %mul3A : i32 to vector<192x512xi32>
    %mul3A_24 = arith.muli %get3A_22, %mul3A_23 : vector<192x512xi32>
    %get3A_25 = arith.constant 0 : index
    %get3A_26 = arith.constant 0 : index
    %get3A_27 = vector.load %arg1[%get3A_25, %get3A_26] : memref<192x1xi32, #tpu.memory_space<vmem>>, vector<192x1xi32>
    %add3A_28 = vector.broadcast %get3A_27 : vector<192x1xi32> to vector<192x512xi32>
    %add3A_29 = arith.addi %mul3A_24, %add3A_28 : vector<192x512xi32>
    %swap3A_30 = arith.constant 0 : index
    %swap3A_31 = arith.constant 0 : index
    %swap3A_32 = vector.load %arg7[%swap3A_30, %swap3A_31] : memref<192x512xi32, #tpu.memory_space<vmem>>, vector<192x512xi32>
    tpu.vector_store %arg7[%swap3A_30, %swap3A_31], %add3A_29 {strides = array<i32>} : memref<192x512xi32, #tpu.memory_space<vmem>>, vector<192x512xi32>,
    %convert_element_type3A = arith.truncf %dot_general3A_5 : vector<288x512xf32> to vector<288x512xbf16>
    %swap3A_33 = arith.constant 0 : index
    %swap3A_34 = arith.constant 0 : index
    %swap3A_35 = vector.load %arg8[%swap3A_33, %swap3A_34] : memref<288x512xbf16, #tpu.memory_space<vmem>>, vector<288x512xbf16>
    tpu.vector_store %arg8[%swap3A_33, %swap3A_34], %convert_element_type3A {strides = array<i32>} : memref<288x512xbf16, #tpu.memory_space<vmem>>, vector<288x512xbf16>,
    %swap3A_36 = arith.constant 0 : index
    %swap3A_37 = arith.constant 0 : index
    %swap3A_38 = vector.load %arg9[%swap3A_36, %swap3A_37] : memref<7x512xf32, #tpu.memory_space<vmem>>, vector<7x512xf32>
    tpu.vector_store %arg9[%swap3A_36, %swap3A_37], %dot_general3A_13 {strides = array<i32>} : memref<7x512xf32, #tpu.memory_space<vmem>>, vector<7x512xf32>,
    return
  }
}

module attributes {stable_mosaic.version = 14 : i64} {
  func.func @_onehot_body(%arg0: i32, %arg1: memref<24x8x512x512xf32, #tpu.memory_space<hbm>>, %arg2: memref<1x1x4096xi32, #tpu.memory_space<vmem>>, %arg3: memref<1x1x8xi32, #tpu.memory_space<vmem>>, %arg4: memref<288x512xbf16, #tpu.memory_space<vmem>>, %arg5: memref<7x512xf32, #tpu.memory_space<vmem>>, %arg6: memref<1x8x512x512xf32, #tpu.memory_space<vmem>>) attributes {dimension_semantics = [#tpu.dimension_semantics<arbitrary>], iteration_bounds = array<i64: 20>, scalar_prefetch = 0 : i64, scratch_operands = 0 : i64, tpu.core_type = #tpu.core_type<tc>, window_params = [{}, {transform_indices = @transform_1, window_bounds = array<i64: 1, 1, 4096>}, {transform_indices = @transform_2, window_bounds = array<i64: 1, 1, 8>}, {pipeline_mode = #tpu.pipeline_mode<synchronous>, transform_indices = @transform_3, window_bounds = array<i64: 288, 512>}, {pipeline_mode = #tpu.pipeline_mode<synchronous>, transform_indices = @transform_4, window_bounds = array<i64: 7, 512>}, {transform_indices = @transform_5, window_bounds = array<i64: 1, 8, 512, 512>}]} {
    %get3A = arith.constant 0 : index
    %get3A_0 = arith.constant 0 : index
    %get3A_1 = arith.constant 0 : index
    %get3A_2 = vector.load %arg2[%get3A, %get3A_0, %get3A_1] : memref<1x1x4096xi32, #tpu.memory_space<vmem>>, vector<1x1x4096xi32>
    %get3A_3 = vector.shape_cast %get3A_2 : vector<1x1x4096xi32> to vector<4096xi32>
    %iota3A = tpu.iota {dimensions = array<i32: 1>} : vector<4096x288xi32>
    %broadcast_in_dim3A = vector.shape_cast %get3A_3 : vector<4096xi32> to vector<4096x1xi32>
    %eq3A = vector.broadcast %broadcast_in_dim3A : vector<4096x1xi32> to vector<4096x288xi32>
    %eq3A_4 = arith.cmpi eq, %eq3A, %iota3A : vector<4096x288xi32>
    %convert_element_type3A = arith.extui %eq3A_4 : vector<4096x288xi1> to vector<4096x288xi32>
    %convert_element_type3A_5 = arith.sitofp %convert_element_type3A : vector<4096x288xi32> to vector<4096x288xf32>
    %convert_element_type3A_6 = arith.truncf %convert_element_type3A_5 : vector<4096x288xf32> to vector<4096x288xbf16>
    %slice3A = vector.extract_strided_slice %convert_element_type3A_6 {offsets = [0, 0], sizes = [4096, 256], strides = [1, 1]} : vector<4096x288xbf16> to vector<4096x256xbf16>
    %get3A_7 = arith.constant 0 : index
    %get3A_8 = arith.constant 0 : index
    %get3A_9 = vector.load %arg4[%get3A_7, %get3A_8] : memref<288x512xbf16, #tpu.memory_space<vmem>>, vector<256x512xbf16>
    %dot_general3A = arith.constant dense<0.000000e+00> : vector<4096x512xf32>
    %dot_general3A_10 = tpu.matmul %slice3A, %get3A_9, %dot_general3A {dimension_numbers = #tpu.dot_dimension_numbers<[1], [0], [0], [1], [0, 0, 1, 1], [], []>, transpose_lhs_hint = false} : vector<4096x256xbf16>, vector<256x512xbf16>, vector<4096x512xf32> -> vector<4096x512xf32>
    %slice3A_11 = vector.extract_strided_slice %convert_element_type3A_6 {offsets = [0, 256], sizes = [4096, 32], strides = [1, 1]} : vector<4096x288xbf16> to vector<4096x32xbf16>
    %get3A_12 = arith.constant 256 : index
    %get3A_13 = arith.constant 0 : index
    %get3A_14 = vector.load %arg4[%get3A_12, %get3A_13] : memref<288x512xbf16, #tpu.memory_space<vmem>>, vector<32x512xbf16>
    %dot_general3A_15 = arith.constant dense<0.000000e+00> : vector<4096x512xf32>
    %dot_general3A_16 = tpu.matmul %slice3A_11, %get3A_14, %dot_general3A_15 {dimension_numbers = #tpu.dot_dimension_numbers<[1], [0], [0], [1], [0, 0, 1, 1], [], []>, transpose_lhs_hint = false} : vector<4096x32xbf16>, vector<32x512xbf16>, vector<4096x512xf32> -> vector<4096x512xf32>
    %add3A = arith.addf %dot_general3A_10, %dot_general3A_16 : vector<4096x512xf32>
    %reshape3A = vector.shape_cast %add3A : vector<4096x512xf32> to vector<8x512x512xf32>
    %get3A_17 = arith.constant 0 : index
    %get3A_18 = arith.constant 0 : index
    %get3A_19 = arith.constant 0 : index
    %get3A_20 = vector.load %arg3[%get3A_17, %get3A_18, %get3A_19] : memref<1x1x8xi32, #tpu.memory_space<vmem>>, vector<1x1x8xi32>
    %get3A_21 = vector.shape_cast %get3A_20 : vector<1x1x8xi32> to vector<8xi32>
    %broadcast_in_dim3A_22 = vector.shape_cast %get3A_21 : vector<8xi32> to vector<8x1xi32>
    %iota3A_23 = tpu.iota {dimensions = array<i32: 1>} : vector<8x7xi32>
    %eq3A_24 = vector.broadcast %broadcast_in_dim3A_22 : vector<8x1xi32> to vector<8x7xi32>
    %eq3A_25 = arith.cmpi eq, %eq3A_24, %iota3A_23 : vector<8x7xi32>
    %convert_element_type3A_26 = arith.extui %eq3A_25 : vector<8x7xi1> to vector<8x7xi32>
    %convert_element_type3A_27 = arith.sitofp %convert_element_type3A_26 : vector<8x7xi32> to vector<8x7xf32>
    %get3A_28 = arith.constant 0 : index
    %get3A_29 = arith.constant 0 : index
    %get3A_30 = vector.load %arg5[%get3A_28, %get3A_29] : memref<7x512xf32, #tpu.memory_space<vmem>>, vector<7x512xf32>
    %dot_general3A_31 = arith.constant dense<0.000000e+00> : vector<8x512xf32>
    %dot_general3A_32 = tpu.matmul %convert_element_type3A_27, %get3A_30, %dot_general3A_31 {dimension_numbers = #tpu.dot_dimension_numbers<[1], [0], [0], [1], [0, 0, 1, 1], [], []>, transpose_lhs_hint = false} : vector<8x7xf32>, vector<7x512xf32>, vector<8x512xf32> -> vector<8x512xf32>
    %broadcast_in_dim3A_33 = vector.shape_cast %dot_general3A_32 : vector<8x512xf32> to vector<8x1x512xf32>
    %add3A_34 = vector.broadcast %broadcast_in_dim3A_33 : vector<8x1x512xf32> to vector<8x512x512xf32>
    %add3A_35 = arith.addf %reshape3A, %add3A_34 : vector<8x512x512xf32>
    %swap3A = arith.constant 0 : index
    %swap3A_36 = arith.constant 0 : index
    %swap3A_37 = arith.constant 0 : index
    %swap3A_38 = arith.constant 0 : index
    %swap3A_39 = vector.load %arg6[%swap3A, %swap3A_36, %swap3A_37, %swap3A_38] : memref<1x8x512x512xf32, #tpu.memory_space<vmem>>, vector<1x8x512x512xf32>
    %swap3A_40 = vector.shape_cast %swap3A_39 : vector<1x8x512x512xf32> to vector<8x512x512xf32>
    %swap3A_41 = vector.shape_cast %add3A_35 : vector<8x512x512xf32> to vector<1x8x512x512xf32>
    tpu.vector_store %arg6[%swap3A, %swap3A_36, %swap3A_37, %swap3A_38], %swap3A_41 {strides = array<i32>} : memref<1x8x512x512xf32, #tpu.memory_space<vmem>>, vector<1x8x512x512xf32>,
    return
  }
  func.func @transform_1(%arg0: i32) -> (i32, i32, i32) {
    %add3A = arith.constant 4 : i32
    %add3A_0 = arith.addi %arg0, %add3A : i32
    %c0_i32 = arith.constant 0 : i32
    %c0_i32_1 = arith.constant 0 : i32
    %c0_i32_2 = arith.constant 0 : i32
    return %add3A_0, %c0_i32, %c0_i32_1 : i32, i32, i32
  }
  func.func @transform_2(%arg0: i32) -> (i32, i32, i32) {
    %add3A = arith.constant 4 : i32
    %add3A_0 = arith.addi %arg0, %add3A : i32
    %c0_i32 = arith.constant 0 : i32
    %c0_i32_1 = arith.constant 0 : i32
    %c0_i32_2 = arith.constant 0 : i32
    return %add3A_0, %c0_i32, %c0_i32_1 : i32, i32, i32
  }
  func.func @transform_3(%arg0: i32) -> (i32, i32) {
    %c0_i32 = arith.constant 0 : i32
    %c0_i32_0 = arith.constant 0 : i32
    %c0_i32_1 = arith.constant 0 : i32
    return %c0_i32, %c0_i32_0 : i32, i32
  }
  func.func @transform_4(%arg0: i32) -> (i32, i32) {
    %c0_i32 = arith.constant 0 : i32
    %c0_i32_0 = arith.constant 0 : i32
    %c0_i32_1 = arith.constant 0 : i32
    return %c0_i32, %c0_i32_0 : i32, i32
  }
  func.func @transform_5(%arg0: i32) -> (i32, i32, i32, i32) {
    %add3A = arith.constant 4 : i32
    %add3A_0 = arith.addi %arg0, %add3A : i32
    %c0_i32 = arith.constant 0 : i32
    %c0_i32_1 = arith.constant 0 : i32
    %c0_i32_2 = arith.constant 0 : i32
    %c0_i32_3 = arith.constant 0 : i32
    return %add3A_0, %c0_i32, %c0_i32_1, %c0_i32_2 : i32, i32, i32, i32
  }
}

</mosaic_0001>

<sc_bundles>
// kernel: kernel.5.cloned.1.call-start
scs
__scs_entry_jumppad:
0x0: {  	(pc) =	sbr.rel $0x88, $3  }
0x1: {  	(tag) =	ssettag $0x0;
	lr =	simm.s32 $0x1  }
0x2: {  	[smem:$0x3F9B] =	sst lr;
	_ =	strace $0xD0000000  }
0x3: {  	_ = 	snop  }
0x4: {  	_ = 	snop  }
0x5: {  	_ = 	snop  }
0x6: {  	_ = 	snop  }
0x7: {  	_ = 	snop  }
__scs_overlays_trampoline_lowered:
0x8: {  	[smem:$0x3FAA] =	sst s0  }
0x9: {  	[smem:$0x3FAB] =	sst s1  }
0xa: {  	[smem:$0x3FAC] =	sst s2  }
0xb: {  	[smem:$0x3FAD] =	sst s3  }
0xc: {  	[smem:$0x3FAE] =	sst s4  }
0xd: {  	[smem:$0x3FAF] =	sst s5  }
0xe: {  	[smem:$0x3FB0] =	sst s6  }
0xf: {  	[smem:$0x3FB1] =	sst s7  }
0x10: {  	[smem:$0x3FB2] =	sst s8  }
0x11: {  	[smem:$0x3FB3] =	sst s9;
	s0 =	simm.s32 @!p0 $0x0  }
0x12: {  	s1 =	sld [smem:$0x3F99];
	s0 =	simm.s32 @p0 $0x1  }
0x13: {  	[smem:$0x3FB4] =	sst s0;
	s0 =	simm.s32 @!p1 $0x0  }
0x14: {  	s2 =	sld [smem:$0x3F98];
	s0 =	simm.s32 @p1 $0x1  }
0x15: {  	[smem:$0x3FB5] =	sst s0;
	s0 =	simm.s32 @!p2 $0x0  }
0x16: {  	s3 =	sld [smem:$0x3FDB];
	s0 =	simm.s32 @p2 $0x1  }
0x17: {  	s4 =	simm.s32 $0x1BF5;
	[smem:$0x3FB7] =	sst s0  }
0x18: {  	s0 =	sld [smem:$0x3F9A];
	_ =	swait.ge [sflag:s4], $0x0  }
0x19: {  	s7 =	sld [smem:$0x3F9B]  }
0x1a: {  	s8 =	sadd.s32 $0xFFFFE003, lr  }
0x1b: {  	s9 =	sadd.s32 $0xFFFFFEF7, lr;
	s5 =	simm.s32 $0xFFFFFFFF;
	p2 =	slt.u32 s8, $0xFFFFF086  }
0x1c: {  	p1 =	slt.u32 s9, $0xF7A;
	s5 =	simm.s32 @!p2 $0x0  }
0x1d: {  	s5 =	simm.s32 @p1 $0x1;
	p0 =	seq.s32 s7, s2  }
0x1e: {  	s7 =	smul.u32 @!p0 $0xF7A, s2;
	p2 =	seq.s32 @!p0 s5, $0x0  }
0x1f: {  	s9 =	smul.u32 $0xF7A, s1;
	s8 =	simm.s32 @!p0 $0x1BF5;
	p2 =	por !p2, p0  }
0x20: {  	[sflag:s8] =	ssyncset.s32 @!p0 $0xFFFFF086;
	s6 =	sadd.s32 @!p0 s3, s7;
	s7 =	simm.s32 @!p0 $0x108  }
0x21: {  	s3 =	sadd.s32 s3, s9;
	s6 =	sadd.s32 @!p0 $0x88, s6;
	s7 =	simm.s32 @p2 $0x1082  }
0x22: {  	[simem:s7], [sflag:s8] =	dma.local @!p0 [hbm:s6], $0xF7A  }
0x23: {  	s9 =	sor.u32 $0xD0000000, s2;
	s6 =	simm.s32 $0x108;
	_ =	swait.ge @!p0 [sflag:s8], $0x0  }
0x24: {  	s3 =	sadd.s32 $0x88, s3;
	s6 =	simm.s32 @!p1 $0x1082;
	[sflag:s4] =	ssyncset.s32 $0xFFFFF086  }
0x25: {  	[simem:s6], [sflag:s4] =	dma.local [hbm:s3], $0xF7A  }
0x26: {  	[smem:$0x3F9B] =	sst s1;
	(tag) =	ssettag s2;
	_ =	strace s9  }
0x27: {  	s1 =	sld [smem:$0x3FAB]  }
0x28: {  	s2 =	sld [smem:$0x3FAC]  }
0x29: {  	s4 =	sld [smem:$0x3FAE]  }
0x2a: {  	p0 =	seq.s32 s5, $0x0;
	s5 =	sld [smem:$0x3FAF]  }
0x2b: {  	s6 =	sld [smem:$0x3FB0]  }
0x2c: {  	s7 =	sld [smem:$0x3FB1]  }
0x2d: {  	s3 =	simm.s32 $0x108;
	s8 =	sld [smem:$0x3FB2]  }
0x2e: {  	s3 =	simm.s32 @!p0 $0x1082;
	s9 =	sld [smem:$0x3FB3]  }
0x2f: {  	lr =	sadd.s32 s0, s3;
	s0 =	sld [smem:$0x3FAA]  }
0x30: {  	s3 =	sld [smem:$0x3FAD]  }
0x31: {  	[smem:$0x3FB6] =	sst s10  }
0x32: {  	s10 =	sld [smem:$0x3FB4];
	_ =	sdelay $0x3  }
0x33: {  	p0 =	seq.s32 s10, $0x1;
	s10 =	sld [smem:$0x3FB6];
	_ =	sdelay $0x3  }
0x34: {  	[smem:$0x3FB6] =	sst s10  }
0x35: {  	s10 =	sld [smem:$0x3FB5];
	_ =	sdelay $0x3  }
0x36: {  	p1 =	seq.s32 s10, $0x1;
	s10 =	sld [smem:$0x3FB6];
	_ =	sdelay $0x3  }
0x37: {  	[smem:$0x3FB6] =	sst s10  }
0x38: {  	s10 =	sld [smem:$0x3FB7]  }
0x39: {  	_ = 	snop;
	(pc) =	sbr.ind lr, $3  }
0x3a: {  	_ = 	snop  }
0x3b: {  	_ = 	snop  }
0x3c: {  	p2 =	seq.s32 s10, $0x1;
	s10 =	sld [smem:$0x3FB6]  }
0x3d: {  	_ =	shalt  }
0x3e: {  	_ =	shalt  }
0x3f: {  	_ =	shalt  }
0x40: {  	_ =	shalt  }
0x41: {  	_ =	shalt  }
0x42: {  	_ =	shalt  }
0x43: {  	_ =	shalt  }
0x44: {  	_ =	shalt  }
0x45: {  	_ =	shalt  }
0x46: {  	_ =	shalt  }
0x47: {  	_ =	shalt  }
0x48: {  	_ =	shalt  }
0x49: {  	_ =	shalt  }
0x4a: {  	_ =	shalt  }
0x4b: {  	_ =	shalt  }
0x4c: {  	_ =	shalt  }
0x4d: {  	_ =	shalt  }
0x4e: {  	_ =	shalt  }
0x4f: {  	_ =	shalt  }
0x50: {  	_ =	shalt  }
0x51: {  	_ =	shalt  }
0x52: {  	_ =	shalt  }
0x53: {  	_ =	shalt  }
0x54: {  	_ =	shalt  }
0x55: {  	_ =	shalt  }
0x56: {  	_ =	shalt  }
0x57: {  	_ =	shalt  }
0x58: {  	_ =	shalt  }
0x59: {  	_ =	shalt  }
0x5a: {  	_ =	shalt  }
0x5b: {  	_ =	shalt  }
0x5c: {  	_ =	shalt  }
0x5d: {  	_ =	shalt  }
0x5e: {  	_ =	shalt  }
0x5f: {  	_ =	shalt  }
0x60: {  	_ =	shalt  }
0x61: {  	_ =	shalt  }
0x62: {  	_ =	shalt  }
0x63: {  	_ =	shalt  }
0x64: {  	_ =	shalt  }
0x65: {  	_ =	shalt  }
0x66: {  	_ =	shalt  }
0x67: {  	_ =	shalt  }
0x68: {  	_ =	shalt  }
0x69: {  	_ =	shalt  }
0x6a: {  	_ =	shalt  }
0x6b: {  	_ =	shalt  }
0x6c: {  	_ =	shalt  }
0x6d: {  	_ =	shalt  }
0x6e: {  	_ =	shalt  }
0x6f: {  	_ =	shalt  }
0x70: {  	_ =	shalt  }
0x71: {  	_ =	shalt  }
0x72: {  	_ =	shalt  }
0x73: {  	_ =	shalt  }
0x74: {  	_ =	shalt  }
0x75: {  	_ =	shalt  }
0x76: {  	_ =	shalt  }
0x77: {  	_ =	shalt  }
0x78: {  	_ =	shalt  }
0x79: {  	_ =	shalt  }
0x7a: {  	_ =	shalt  }
0x7b: {  	_ =	shalt  }
0x7c: {  	_ =	shalt  }
0x7d: {  	_ =	shalt  }
0x7e: {  	_ =	shalt  }
0x7f: {  	_ =	shalt  }
0x80: {  	_ =	shalt  }
0x81: {  	_ =	shalt  }
0x82: {  	_ =	shalt  }
0x83: {  	_ =	shalt  }
0x84: {  	_ =	shalt  }
0x85: {  	_ =	shalt  }
0x86: {  	_ =	shalt  }
0x87: {  	_ =	shalt  }
.Lfunc_end0:
.L_simem_size_0:
called_computation_lowered:
.L_overlay_start_0:
0x88: {  	s2 =	sld [smem:$0x3FD9]  }
0x89: {  	s3 =	sld [smem:$0x3FFE];
	_ =	sdelay $0x1  }
0x8a: {  	s1 =	srdreg.scid  }
0x8b: {  	s0 =	sand.u32 $0x1, s1  }
0x8c: {  	s17 =	sshll.u32 s0, $0xA;
	s2 =	sadd.s32 s3, s2  }
0x8d: {  	s2 =	sadd.s32 s2, s17  }
0x8e: {  	[smem:$0x3FC2] =	sst s2  }
0x8f: {  	_ = 	snop  }
0x90: {  	s2 =	sld [smem:$0x3FD0];
	(tm) =	ssettm $0x1  }
0x91: {  	s18 =	sld [smem:$0x3FFB];
	_ =	sdelay $0x3  }
0x92: {  	_ =	strace s18  }
0x93: {  	s3 =	sld [smem:$0x3FFC];
	_ =	sdelay $0x3  }
0x94: {  	_ =	strace s3  }
0x95: {  	s3 =	sld [smem:$0x3FFD];
	_ =	sdelay $0x3  }
0x96: {  	_ =	strace s3  }
0x97: {  	_ =	strace $0x8FFFFFFF  }
0x98: {  	s19 =	sld [smem:$0x3FDB];
	_ =	sdelay $0x1  }
0x99: {  	s4 =	simm.s32 $_scs_section_size  }
0x9a: {  	s5 =	simm.s32 $_size__tile_overlayer_lowered;
	s6 =	simm.s32 $_tile_overlayer_lowered  }
0x9b: {  	s22 =	simm.s32 $0x1BFF;
	s21 =	sshll.u32 s6, $0x1;
	s3 =	sadd.s32 s4, s19  }
0x9c: {  	s7 =	simm.s32 $0x0;
	s20 =	sshll.u32 s5, $0x1;
	s5 =	sadd.s32 s21, s3  }
0x9d: {  	[timem:s7], [sflag:s22] =	dma.local [hbm:s5], s20  }
0x9e: {  	_ =	swait.ge [sflag:s22], s20  }
0x9f: {  	s4 =	ssub.s32 $0x0, s20;
	[sflag:s22] =	ssyncset.done $0x0  }
0xa0: {  	[sflag:s22] =	ssyncadd.s32 s4;
	_ =	sdelay $0x1  }
0xa1: {  	s23 =	simm.s32 $0x1B8B  }
0xa2: {  	_ =	swait.ge [sflag:s23], $0x1  }
0xa3: {  	[sflag:s23] =	ssyncset.done $0x0  }
0xa4: {  	s25 =	simm.s32 $0x1B8E;
	s24 =	sld [smem:$0x3FFE];
	[sflag:s23] =	ssyncadd.s32 $0xFFFFFFFF  }
0xa5: {  	s26 =	simm.s32 $execute0_lowered;
	[smem:$0x3FD2] =	sst s25  }
0xa6: {  	s5 =	sshll.u32 s26, $0x1;
	_ =	strace $0x80000046;
	[dreg:$0x1] =	wrdreg $0xFFFFFFFF  }
0xa7: {  	s28 =	simm.s32 $_size_execute0_lowered;
	s3 =	sadd.s32 s3, s5;
	[dreg:$0x0] =	wrdreg $0x0  }
0xa8: {  	s5 =	sshll.u32 s28, $0x1;
	[dreg:$0x2] =	wrdreg s3  }
0xa9: {  	[dreg:$0x3] =	wrdreg s5  }
0xaa: {  	[dreg:$0x4] =	wrdreg $0xC0  }
0xab: {  	_ =	task [dreg:s7], $0x5FFFF  }
0xac: {  	[dreg:$0x1] =	wrdreg $0xFFFFFFFF  }
0xad: {  	[dreg:$0x0] =	wrdreg $0x60  }
0xae: {  	[dreg:$0x2] =	wrdreg s24  }
0xaf: {  	[dreg:$0x3] =	wrdreg s2  }
0xb0: {  	[dreg:$0x4] =	wrdreg $0x9  }
0xb1: {  	_ =	task.clear_ibuf [dreg:s7], $0x5FFFF;
	_ =	strace $0x90000046  }
0xb2: {  	s29 =	simm.s32 $0x9;
	_ =	strace $0x80000048  }
0xb3: {  	_ =	swait.ge [sflag:s29], $0x1  }
0xb4: {  	[sflag:s29] =	ssyncadd.s32 $0xFFFFFFFF  }
0xb5: {  	_ =	strace $0x90000048  }
0xb6: {  	_ =	sfence  }
0xb7: {  	s30 =	sld [smem:$0x0];
	_ =	sdelay $0x2  }
0xb8: {  	s31 =	sshll.u32 s1, $0xD;
	s1 =	sshrl.u32 s1, $0x2  }
0xb9: {  	s3 =	sand.u32 $0x4000, s31;
	s1 =	sadd.s32 s1, s30  }
0xba: {  	s0 =	sor.u32 s3, s0;
	s1 =	sshll.u32 s1, $0x11  }
0xbb: {  	s0 =	sor.u32 s1, s0  }
0xbc: {  	s0 =	sadd.s32 $0x8F2B, s0  }
0xbd: {  	[sflag:s0] =	ssyncadd.remote.s32 $0x1  }
0xbe: {  	_ =	sfence.sel $0xFFFF  }
0xbf: {  	[dreg:$0x0] =	wrdreg $0xFFFFFFFF;
	(pc) =	sbr.abs _section_cstart, $3  }
0xc0: {  	[dreg:$0x1] =	wrdreg $0xFFFFFFFF  }
0xc1: {  	_ =	task.clear_ibuf [dreg:s7], $0x2FFFF;
	_ =	strace $0x9FFFFFFF  }
0xc2: {  	(tm) =	ssettm $0x7FFFFFFF  }
0xc3: {  	_ =	shalt  }
tec
execute0_lowered:
.L_overlay_start_1:
0x0: {  	(tag) =	ssettag $0x1  }
0x1: {  	s0 =	rddreg [dreg:$0x0]  }
0x2: {  	s1 =	rddreg [dreg:$0x1]  }
0x3: {  	s2 =	srdreg.scid;
	s8 =	stileid.u32  }
0x4: {  	s9 =	simm.s32 $0x200;
	s28 =	simm.s32 $0x9200;
	s29 =	simm.s32 $0x9A00  }
0x5: {  	s30 =	simm.s32 $0xA200;
	s31 =	simm.s32 $0xAA00;
	s10 =	simm.s32 $0xDA00  }
0x6: {  	s11 =	simm.s32 $0xE200;
	s12 =	simm.s32 $0xEA00;
	s13 =	simm.s32 $0xF200  }
0x7: {  	s14 =	simm.s32 $0xFA00;
	s15 =	simm.s32 $0x1;
	s16 =	simm.s32 $0x2  }
0x8: {  	s17 =	simm.s32 $0x3;
	s18 =	simm.s32 $0x4;
	s20 =	simm.s32 $0x0  }
0x9: {  	s4 =	sand.u32 $0x1, s2;
	s2 =	simm.s32 $0x0;
	s3 =	sshll.u32 s8, $0xA  }
0xa: {  	s24 =	sshll.u32 s8, $0x10;
	s8 =	simm.s32 $0xD200;
	s5 =	sshll.u32 s4, $0x9  }
0xb: {  	[smem:$0x7FF] =	sst s2;
	s22 =	ssub.s32 $0x2, s4;
	s26 =	sshll.u32 s4, $0xF  }
0xc: {  	s4 =	simm.s32 $0xC200;
	s3 =	sor.u32 s5, s3;
	_ =	strace $0x80000047  }
0xd: {  	s7 =	sshrl.u32 s22, $0x1;
	s5 =	sadd.s32 $0x8100, s0;
	s6 =	sshrl.u32 s3, $0x3  }
0xe: {  	s3 =	sadd.s32 $0x8000, s0;
	s7 =	ssub.s32 s22, s7;
	s22 =	simm.s32 $0x6A00  }
.Ltmp0:
0xf: {  	s6 =	sadd.s32 s6, s0;
	s25 =	smax.u32 s7, $0x1;
	(pc) =	sbr.rel .LBB2_1-.Ltmp0, $4  }
0x10: {  	s0 =	sadd.s32 s24, s1;
	s24 =	simm.s32 $0x7A00;
	s1 =	simm.s32 $0xBA00  }
0x11: {  	v2 =	vlaneseq.u32;
	s23 =	sadd.s32 $0x27800, s6;
	[dreg:$0x4] =	wrdreg s25;
	s7 =	sadd.s32 s26, s0  }
0x12: {  	vm0 =	vmmov $0xffff;
	v1 =	vshrl.u32 v2, $0x3;
	s25 =	simm.s32 $0x8200;
	s26 =	simm.s32 $0x8A00;
	s0 =	simm.s32 $0xB200  }
0x13: {  	v0 =	vand.u32 $0x7, v2;
	v2 =	vor.u32 $0x8, v2;
	v1 =	vmul.u32 $0x8, v1;
	s6 =	simm.s32 $0xCA00;
	[dreg:$0x3] =	wrdreg s23;
	s23 =	simm.s32 $0x7200  }
.LBB2_4:
0x14: {  	_ =	swait.ge [sflag:s17], $0x8000  }
0x15: {  	[sflag:s17] =	ssyncset.done $0x0  }
0x16: {  	[sflag:s17] =	ssyncadd.s32 $0xFFFF8000  }
0x17: {  	_ =	swait.ge [sflag:s18], $0x8000  }
0x18: {  	s20 =	rddreg [dreg:$0x5]  }
0x19: {  	s19 =	rddreg [dreg:$0x4];
	s20 =	sadd.s32 $0x1, s20  }
0x1a: {  	p0 =	sne.s32 s20, s19  }
.Ltmp1:
0x1b: {  	_ = 	snop;
	(pc) =	sbr.rel @!p0 .LBB2_5-.Ltmp1, $3  }
0x1c: {  	_ =	sdelay $0x1  }
0x1d: {  	[sflag:s18] =	ssyncset.done $0x0  }
0x1e: {  	[sflag:s18] =	ssyncadd.s32 $0xFFFF8000  }
.LBB2_1:
0x1f: {  	[dreg:$0x5] =	wrdreg s20  }
0x20: {  	s19 =	rddreg [dreg:$0x3];
	s21 =	simm.s32 $0x5  }
0x21: {  	[tilespmem:s2], [sflag:$0x5] =	stream.linear.gather [hbm4b:s19+s2], $0x200, $0x38;
	[tilespmem:$0x10200] =	vst v63  }
0x22: {  	_ =	swait.ge [sflag:s21], $0x200  }
0x23: {  	[sflag:s21] =	ssyncset.done $0x0  }
0x24: {  	[sflag:s21] =	ssyncadd.s32 $0xFFFFFE00  }
0x25: {  	v3 =	vld [tilespmem:$0x0];
	_ =	sdelay $0x4  }
0x26: {  	v4 =	vshll.u32 v3, $0x2  }
0x27: {  	v3 =	vand.u32 $0x7, v3;
	v4 =	vand.u32 $0xFFFFFFE0, v4  }
0x28: {  	v3 =	vor.u32 v3, v4  }
0x29: {  	v4 =	vperm.xlane v3, v0;
	_ =	sdelay $0x1  }
0x2a: {  	v4 =	vadd.s32 v1, v4;
	_ =	sdelay $0x1  }
0x2b: {  	v3 =	vperm.xlane v3, v2;
	_ =	sdelay $0x1  }
0x2c: {  	v3 =	vadd.s32 v1, v3  }
0x2d: {  	[tilespmem:s9], [sflag:$0x1] =	stream.indirect_vreg.gather [hbm4b:s3+s2], $0x80, v4, vm0, $0xb8;
	[tilespmem:$0x10200] =	vst v63  }
0x2e: {  	s20 =	simm.s32 $0xA00  }
0x2f: {  	[tilespmem:s20], [sflag:$0x1] =	stream.indirect_vreg.gather [hbm4b:s5+s2], $0x80, v4, vm0, $0xb8;
	[tilespmem:$0x10200] =	vst v63  }
0x30: {  	s21 =	simm.s32 $0x1200  }
0x31: {  	[tilespmem:s21], [sflag:$0x1] =	stream.indirect_vreg.gather [hbm4b:s3+s2], $0x80, v3, vm0, $0xb8;
	[tilespmem:$0x10200] =	vst v63  }
0x32: {  	s20 =	simm.s32 $0x1A00  }
0x33: {  	[tilespmem:s20], [sflag:$0x1] =	stream.indirect_vreg.gather [hbm4b:s5+s2], $0x80, v3, vm0, $0xb8;
	[tilespmem:$0x10200] =	vst v63  }
0x34: {  	v3 =	vld [tilespmem:$0x10];
	_ =	sdelay $0x4  }
0x35: {  	v57 =	vshll.u32 v3, $0x2  }
0x36: {  	v3 =	vand.u32 $0x7, v3;
	v4 =	vand.u32 $0xFFFFFFE0, v57  }
0x37: {  	v3 =	vor.u32 v3, v4  }
0x38: {  	v4 =	vperm.xlane v3, v0;
	_ =	sdelay $0x1  }
0x39: {  	v4 =	vadd.s32 v1, v4;
	_ =	sdelay $0x1  }
0x3a: {  	v3 =	vperm.xlane v3, v2;
	_ =	sdelay $0x1  }
0x3b: {  	s21 =	simm.s32 $0x2200;
	v3 =	vadd.s32 v1, v3  }
0x3c: {  	[tilespmem:s21], [sflag:$0x1] =	stream.indirect_vreg.gather [hbm4b:s3+s2], $0x80, v4, vm0, $0xb8;
	[tilespmem:$0x10200] =	vst v63  }
0x3d: {  	s20 =	simm.s32 $0x2A00  }
0x3e: {  	[tilespmem:s20], [sflag:$0x1] =	stream.indirect_vreg.gather [hbm4b:s5+s2], $0x80, v4, vm0, $0xb8;
	[tilespmem:$0x10200] =	vst v63  }
0x3f: {  	s21 =	simm.s32 $0x3200  }
0x40: {  	[tilespmem:s21], [sflag:$0x1] =	stream.indirect_vreg.gather [hbm4b:s3+s2], $0x80, v3, vm0, $0xb8;
	[tilespmem:$0x10200] =	vst v63  }
0x41: {  	s20 =	simm.s32 $0x3A00  }
0x42: {  	[tilespmem:s20], [sflag:$0x1] =	stream.indirect_vreg.gather [hbm4b:s5+s2], $0x80, v3, vm0, $0xb8;
	[tilespmem:$0x10200] =	vst v63  }
0x43: {  	v3 =	vld [tilespmem:$0x20];
	_ =	sdelay $0x4  }
0x44: {  	v58 =	vshll.u32 v3, $0x2  }
0x45: {  	v3 =	vand.u32 $0x7, v3;
	v4 =	vand.u32 $0xFFFFFFE0, v58  }
0x46: {  	v3 =	vor.u32 v3, v4  }
0x47: {  	v4 =	vperm.xlane v3, v0;
	_ =	sdelay $0x1  }
0x48: {  	v4 =	vadd.s32 v1, v4;
	_ =	sdelay $0x1  }
0x49: {  	v3 =	vperm.xlane v3, v2;
	_ =	sdelay $0x1  }
0x4a: {  	s21 =	simm.s32 $0x4200;
	v3 =	vadd.s32 v1, v3  }
0x4b: {  	[tilespmem:s21], [sflag:$0x1] =	stream.indirect_vreg.gather [hbm4b:s3+s2], $0x80, v4, vm0, $0xb8;
	[tilespmem:$0x10200] =	vst v63  }
0x4c: {  	s20 =	simm.s32 $0x4A00  }
0x4d: {  	[tilespmem:s20], [sflag:$0x1] =	stream.indirect_vreg.gather [hbm4b:s5+s2], $0x80, v4, vm0, $0xb8;
	[tilespmem:$0x10200] =	vst v63  }
0x4e: {  	s21 =	simm.s32 $0x5200  }
0x4f: {  	[tilespmem:s21], [sflag:$0x1] =	stream.indirect_vreg.gather [hbm4b:s3+s2], $0x80, v3, vm0, $0xb8;
	[tilespmem:$0x10200] =	vst v63  }
0x50: {  	s20 =	simm.s32 $0x5A00  }
0x51: {  	[tilespmem:s20], [sflag:$0x1] =	stream.indirect_vreg.gather [hbm4b:s5+s2], $0x80, v3, vm0, $0xb8;
	[tilespmem:$0x10200] =	vst v63  }
0x52: {  	v3 =	vld [tilespmem:$0x30];
	_ =	sdelay $0x4  }
0x53: {  	v59 =	vshll.u32 v3, $0x2  }
0x54: {  	v3 =	vand.u32 $0x7, v3;
	v4 =	vand.u32 $0xFFFFFFE0, v59  }
0x55: {  	v3 =	vor.u32 v3, v4  }
0x56: {  	v4 =	vperm.xlane v3, v0;
	_ =	sdelay $0x1  }
0x57: {  	v4 =	vadd.s32 v1, v4;
	_ =	sdelay $0x1  }
0x58: {  	v3 =	vperm.xlane v3, v2;
	_ =	sdelay $0x1  }
0x59: {  	s21 =	simm.s32 $0x6200;
	v3 =	vadd.s32 v1, v3  }
0x5a: {  	[tilespmem:s21], [sflag:$0x1] =	stream.indirect_vreg.gather [hbm4b:s3+s2], $0x80, v4, vm0, $0xb8;
	[tilespmem:$0x10200] =	vst v63  }
0x5b: {  	_ = 	snop  }
0x5c: {  	[tilespmem:s22], [sflag:$0x1] =	stream.indirect_vreg.gather [hbm4b:s5+s2], $0x80, v4, vm0, $0xb8;
	[tilespmem:$0x10200] =	vst v63  }
0x5d: {  	_ = 	snop  }
0x5e: {  	[tilespmem:s23], [sflag:$0x1] =	stream.indirect_vreg.gather [hbm4b:s3+s2], $0x80, v3, vm0, $0xb8;
	[tilespmem:$0x10200] =	vst v63  }
0x5f: {  	_ = 	snop  }
0x60: {  	[tilespmem:s24], [sflag:$0x1] =	stream.indirect_vreg.gather [hbm4b:s5+s2], $0x80, v3, vm0, $0xb8;
	[tilespmem:$0x10200] =	vst v63  }
0x61: {  	v3 =	vld [tilespmem:$0x40];
	_ =	sdelay $0x4  }
0x62: {  	v60 =	vshll.u32 v3, $0x2  }
0x63: {  	v3 =	vand.u32 $0x7, v3;
	v4 =	vand.u32 $0xFFFFFFE0, v60  }
0x64: {  	v3 =	vor.u32 v3, v4  }
0x65: {  	v4 =	vperm.xlane v3, v0;
	_ =	sdelay $0x1  }
0x66: {  	v4 =	vadd.s32 v1, v4;
	_ =	sdelay $0x1  }
0x67: {  	v3 =	vperm.xlane v3, v2;
	_ =	sdelay $0x1  }
0x68: {  	v3 =	vadd.s32 v1, v3  }
0x69: {  	[tilespmem:s25], [sflag:$0x2] =	stream.indirect_vreg.gather [hbm4b:s3+s2], $0x80, v4, vm0, $0xb8;
	[tilespmem:$0x10200] =	vst v63  }
0x6a: {  	_ = 	snop  }
0x6b: {  	[tilespmem:s26], [sflag:$0x2] =	stream.indirect_vreg.gather [hbm4b:s5+s2], $0x80, v4, vm0, $0xb8;
	[tilespmem:$0x10200] =	vst v63  }
0x6c: {  	_ = 	snop  }
0x6d: {  	[tilespmem:s28], [sflag:$0x2] =	stream.indirect_vreg.gather [hbm4b:s3+s2], $0x80, v3, vm0, $0xb8;
	[tilespmem:$0x10200] =	vst v63  }
0x6e: {  	_ = 	snop  }
0x6f: {  	[tilespmem:s29], [sflag:$0x2] =	stream.indirect_vreg.gather [hbm4b:s5+s2], $0x80, v3, vm0, $0xb8;
	[tilespmem:$0x10200] =	vst v63  }
0x70: {  	v3 =	vld [tilespmem:$0x50];
	_ =	sdelay $0x4  }
0x71: {  	v61 =	vshll.u32 v3, $0x2  }
0x72: {  	v3 =	vand.u32 $0x7, v3;
	v4 =	vand.u32 $0xFFFFFFE0, v61  }
0x73: {  	v3 =	vor.u32 v3, v4  }
0x74: {  	v4 =	vperm.xlane v3, v0;
	_ =	sdelay $0x1  }
0x75: {  	v4 =	vadd.s32 v1, v4;
	_ =	sdelay $0x1  }
0x76: {  	v3 =	vperm.xlane v3, v2;
	_ =	sdelay $0x1  }
0x77: {  	v3 =	vadd.s32 v1, v3  }
0x78: {  	[tilespmem:s30], [sflag:$0x2] =	stream.indirect_vreg.gather [hbm4b:s3+s2], $0x80, v4, vm0, $0xb8;
	[tilespmem:$0x10200] =	vst v63  }
0x79: {  	_ = 	snop  }
0x7a: {  	[tilespmem:s31], [sflag:$0x2] =	stream.indirect_vreg.gather [hbm4b:s5+s2], $0x80, v4, vm0, $0xb8;
	[tilespmem:$0x10200] =	vst v63  }
0x7b: {  	_ = 	snop  }
0x7c: {  	[tilespmem:s0], [sflag:$0x2] =	stream.indirect_vreg.gather [hbm4b:s3+s2], $0x80, v3, vm0, $0xb8;
	[tilespmem:$0x10200] =	vst v63  }
0x7d: {  	_ = 	snop  }
0x7e: {  	[tilespmem:s1], [sflag:$0x2] =	stream.indirect_vreg.gather [hbm4b:s5+s2], $0x80, v3, vm0, $0xb8;
	[tilespmem:$0x10200] =	vst v63  }
0x7f: {  	v3 =	vld [tilespmem:$0x60];
	_ =	sdelay $0x4  }
0x80: {  	v62 =	vshll.u32 v3, $0x2  }
0x81: {  	v3 =	vand.u32 $0x7, v3;
	v4 =	vand.u32 $0xFFFFFFE0, v62  }
0x82: {  	v3 =	vor.u32 v3, v4  }
0x83: {  	v4 =	vperm.xlane v3, v0;
	_ =	sdelay $0x1  }
0x84: {  	v4 =	vadd.s32 v1, v4;
	_ =	sdelay $0x1  }
0x85: {  	v3 =	vperm.xlane v3, v2;
	_ =	sdelay $0x1  }
0x86: {  	v3 =	vadd.s32 v1, v3  }
0x87: {  	[tilespmem:s4], [sflag:$0x2] =	stream.indirect_vreg.gather [hbm4b:s3+s2], $0x80, v4, vm0, $0xb8;
	[tilespmem:$0x10200] =	vst v63  }
0x88: {  	_ = 	snop  }
0x89: {  	[tilespmem:s6], [sflag:$0x2] =	stream.indirect_vreg.gather [hbm4b:s5+s2], $0x80, v4, vm0, $0xb8;
	[tilespmem:$0x10200] =	vst v63  }
0x8a: {  	_ = 	snop  }
0x8b: {  	[tilespmem:s8], [sflag:$0x2] =	stream.indirect_vreg.gather [hbm4b:s3+s2], $0x80, v3, vm0, $0xb8;
	[tilespmem:$0x10200] =	vst v63  }
0x8c: {  	_ = 	snop  }
0x8d: {  	[tilespmem:s10], [sflag:$0x2] =	stream.indirect_vreg.gather [hbm4b:s5+s2], $0x80, v3, vm0, $0xb8;
	[tilespmem:$0x10200] =	vst v63  }
0x8e: {  	v3 =	vld [tilespmem:$0x70];
	_ =	sdelay $0x4  }
0x8f: {  	v63 =	vshll.u32 v3, $0x2  }
0x90: {  	v3 =	vand.u32 $0x7, v3;
	v4 =	vand.u32 $0xFFFFFFE0, v63  }
0x91: {  	v3 =	vor.u32 v3, v4  }
0x92: {  	v4 =	vperm.xlane v3, v0;
	_ =	sdelay $0x1  }
0x93: {  	v4 =	vadd.s32 v1, v4;
	_ =	sdelay $0x1  }
0x94: {  	v3 =	vperm.xlane v3, v2;
	_ =	sdelay $0x1  }
0x95: {  	v3 =	vadd.s32 v1, v3  }
0x96: {  	[tilespmem:s11], [sflag:$0x2] =	stream.indirect_vreg.gather [hbm4b:s3+s2], $0x80, v4, vm0, $0xb8;
	[tilespmem:$0x10200] =	vst v63  }
0x97: {  	_ = 	snop  }
0x98: {  	[tilespmem:s12], [sflag:$0x2] =	stream.indirect_vreg.gather [hbm4b:s5+s2], $0x80, v4, vm0, $0xb8;
	[tilespmem:$0x10200] =	vst v63  }
0x99: {  	_ = 	snop  }
0x9a: {  	[tilespmem:s13], [sflag:$0x2] =	stream.indirect_vreg.gather [hbm4b:s3+s2], $0x80, v3, vm0, $0xb8;
	[tilespmem:$0x10200] =	vst v63  }
0x9b: {  	s19 =	simm.s32 $0xF0;
	s20 =	simm.s32 $0x0  }
0x9c: {  	[tilespmem:s14], [sflag:$0x2] =	stream.indirect_vreg.gather [hbm4b:s5+s2], $0x80, v3, vm0, $0xb8;
	[tilespmem:$0x10200] =	vst v63  }
.LBB2_2:
0x9d: {  	_ =	swait.ge [sflag:s15], $0x8000  }
0x9e: {  	[sflag:s15] =	ssyncset.done $0x0  }
0x9f: {  	s21 =	sadd.s32 s20, s7;
	p0 =	seq.s32 s20, $0x6000;
	[sflag:s15] =	ssyncadd.s32 $0xFFFF8000  }
0xa0: {  	[hbm4b:s21+s2] =	stream.linear.scatter [tilespmem:s9], [sflag:$0x3], $0x8000, $0x38;
	[tilespmem:$0x10200] =	vst v63  }
.Ltmp2:
0xa1: {  	_ = 	snop;
	(pc) =	sbr.rel @p0 .LBB2_4-.Ltmp2, $4  }
0xa2: {  	_ =	swait.ge [sflag:s16], $0x8000  }
0xa3: {  	[sflag:s16] =	ssyncset.done $0x0  }
0xa4: {  	s21 =	sadd.s32 $0x1000, s21;
	[sflag:s16] =	ssyncadd.s32 $0xFFFF8000  }
0xa5: {  	[hbm4b:s21+s2] =	stream.linear.scatter [tilespmem:s25], [sflag:$0x4], $0x8000, $0x38;
	[tilespmem:$0x10200] =	vst v63  }
0xa6: {  	_ =	swait.ge [sflag:s17], $0x8000  }
0xa7: {  	[sflag:s17] =	ssyncset.done $0x0  }
0xa8: {  	[sflag:s17] =	ssyncadd.s32 $0xFFFF8000  }
0xa9: {  	v3 =	vld [tilespmem:s19+$0xFFFFFF90];
	_ =	sdelay $0x4  }
0xaa: {  	v4 =	vshll.u32 v3, $0x2  }
0xab: {  	v3 =	vand.u32 $0x7, v3;
	v4 =	vand.u32 $0xFFFFFFE0, v4  }
0xac: {  	v3 =	vor.u32 v3, v4  }
0xad: {  	v4 =	vperm.xlane v3, v0;
	_ =	sdelay $0x1  }
0xae: {  	v4 =	vadd.s32 v1, v4;
	_ =	sdelay $0x1  }
0xaf: {  	v3 =	vperm.xlane v3, v2;
	_ =	sdelay $0x1  }
0xb0: {  	v3 =	vadd.s32 v1, v3  }
0xb1: {  	[tilespmem:s9], [sflag:$0x1] =	stream.indirect_vreg.gather [hbm4b:s3+s2], $0x80, v4, vm0, $0xb8;
	[tilespmem:$0x10200] =	vst v63  }
0xb2: {  	s21 =	simm.s32 $0xA00  }
0xb3: {  	[tilespmem:s21], [sflag:$0x1] =	stream.indirect_vreg.gather [hbm4b:s5+s2], $0x80, v4, vm0, $0xb8;
	[tilespmem:$0x10200] =	vst v63  }
0xb4: {  	s21 =	simm.s32 $0x1200  }
0xb5: {  	[tilespmem:s21], [sflag:$0x1] =	stream.indirect_vreg.gather [hbm4b:s3+s2], $0x80, v3, vm0, $0xb8;
	[tilespmem:$0x10200] =	vst v63  }
0xb6: {  	s21 =	simm.s32 $0x1A00  }
0xb7: {  	[tilespmem:s21], [sflag:$0x1] =	stream.indirect_vreg.gather [hbm4b:s5+s2], $0x80, v3, vm0, $0xb8;
	[tilespmem:$0x10200] =	vst v63  }
0xb8: {  	v3 =	vld [tilespmem:s19+$0xFFFFFFA0];
	_ =	sdelay $0x4  }
0xb9: {  	v57 =	vshll.u32 v3, $0x2  }
0xba: {  	v3 =	vand.u32 $0x7, v3;
	v4 =	vand.u32 $0xFFFFFFE0, v57  }
0xbb: {  	v3 =	vor.u32 v3, v4  }
0xbc: {  	v4 =	vperm.xlane v3, v0;
	_ =	sdelay $0x1  }
0xbd: {  	v4 =	vadd.s32 v1, v4;
	_ =	sdelay $0x1  }
0xbe: {  	v3 =	vperm.xlane v3, v2;
	_ =	sdelay $0x1  }
0xbf: {  	s21 =	simm.s32 $0x2200;
	v3 =	vadd.s32 v1, v3  }
0xc0: {  	[tilespmem:s21], [sflag:$0x1] =	stream.indirect_vreg.gather [hbm4b:s3+s2], $0x80, v4, vm0, $0xb8;
	[tilespmem:$0x10200] =	vst v63  }
0xc1: {  	s21 =	simm.s32 $0x2A00  }
0xc2: {  	[tilespmem:s21], [sflag:$0x1] =	stream.indirect_vreg.gather [hbm4b:s5+s2], $0x80, v4, vm0, $0xb8;
	[tilespmem:$0x10200] =	vst v63  }
0xc3: {  	s21 =	simm.s32 $0x3200  }
0xc4: {  	[tilespmem:s21], [sflag:$0x1] =	stream.indirect_vreg.gather [hbm4b:s3+s2], $0x80, v3, vm0, $0xb8;
	[tilespmem:$0x10200] =	vst v63  }
0xc5: {  	s21 =	simm.s32 $0x3A00  }
0xc6: {  	[tilespmem:s21], [sflag:$0x1] =	stream.indirect_vreg.gather [hbm4b:s5+s2], $0x80, v3, vm0, $0xb8;
	[tilespmem:$0x10200] =	vst v63  }
0xc7: {  	v3 =	vld [tilespmem:s19+$0xFFFFFFB0];
	_ =	sdelay $0x4  }
0xc8: {  	v58 =	vshll.u32 v3, $0x2  }
0xc9: {  	v3 =	vand.u32 $0x7, v3;
	v4 =	vand.u32 $0xFFFFFFE0, v58  }
0xca: {  	v3 =	vor.u32 v3, v4  }
0xcb: {  	v4 =	vperm.xlane v3, v0;
	_ =	sdelay $0x1  }
0xcc: {  	v4 =	vadd.s32 v1, v4;
	_ =	sdelay $0x1  }
0xcd: {  	v3 =	vperm.xlane v3, v2;
	_ =	sdelay $0x1  }
0xce: {  	s21 =	simm.s32 $0x4200;
	v3 =	vadd.s32 v1, v3  }
0xcf: {  	[tilespmem:s21], [sflag:$0x1] =	stream.indirect_vreg.gather [hbm4b:s3+s2], $0x80, v4, vm0, $0xb8;
	[tilespmem:$0x10200] =	vst v63  }
0xd0: {  	s21 =	simm.s32 $0x4A00  }
0xd1: {  	[tilespmem:s21], [sflag:$0x1] =	stream.indirect_vreg.gather [hbm4b:s5+s2], $0x80, v4, vm0, $0xb8;
	[tilespmem:$0x10200] =	vst v63  }
0xd2: {  	s21 =	simm.s32 $0x5200  }
0xd3: {  	[tilespmem:s21], [sflag:$0x1] =	stream.indirect_vreg.gather [hbm4b:s3+s2], $0x80, v3, vm0, $0xb8;
	[tilespmem:$0x10200] =	vst v63  }
0xd4: {  	s21 =	simm.s32 $0x5A00  }
0xd5: {  	[tilespmem:s21], [sflag:$0x1] =	stream.indirect_vreg.gather [hbm4b:s5+s2], $0x80, v3, vm0, $0xb8;
	[tilespmem:$0x10200] =	vst v63  }
0xd6: {  	v3 =	vld [tilespmem:s19+$0xFFFFFFC0];
	_ =	sdelay $0x4  }
0xd7: {  	v59 =	vshll.u32 v3, $0x2  }
0xd8: {  	v3 =	vand.u32 $0x7, v3;
	v4 =	vand.u32 $0xFFFFFFE0, v59  }
0xd9: {  	v3 =	vor.u32 v3, v4  }
0xda: {  	v4 =	vperm.xlane v3, v0;
	_ =	sdelay $0x1  }
0xdb: {  	v4 =	vadd.s32 v1, v4;
	_ =	sdelay $0x1  }
0xdc: {  	v3 =	vperm.xlane v3, v2;
	_ =	sdelay $0x1  }
0xdd: {  	s21 =	simm.s32 $0x6200;
	v3 =	vadd.s32 v1, v3  }
0xde: {  	[tilespmem:s21], [sflag:$0x1] =	stream.indirect_vreg.gather [hbm4b:s3+s2], $0x80, v4, vm0, $0xb8;
	[tilespmem:$0x10200] =	vst v63  }
0xdf: {  	_ = 	snop  }
0xe0: {  	[tilespmem:s22], [sflag:$0x1] =	stream.indirect_vreg.gather [hbm4b:s5+s2], $0x80, v4, vm0, $0xb8;
	[tilespmem:$0x10200] =	vst v63  }
0xe1: {  	_ = 	snop  }
0xe2: {  	[tilespmem:s23], [sflag:$0x1] =	stream.indirect_vreg.gather [hbm4b:s3+s2], $0x80, v3, vm0, $0xb8;
	[tilespmem:$0x10200] =	vst v63  }
0xe3: {  	_ = 	snop  }
0xe4: {  	[tilespmem:s24], [sflag:$0x1] =	stream.indirect_vreg.gather [hbm4b:s5+s2], $0x80, v3, vm0, $0xb8;
	[tilespmem:$0x10200] =	vst v63  }
0xe5: {  	_ =	swait.ge [sflag:s18], $0x8000  }
0xe6: {  	[sflag:s18] =	ssyncset.done $0x0  }
0xe7: {  	[sflag:s18] =	ssyncadd.s32 $0xFFFF8000  }
0xe8: {  	v3 =	vld [tilespmem:s19+$0xFFFFFFD0];
	_ =	sdelay $0x4  }
0xe9: {  	v60 =	vshll.u32 v3, $0x2  }
0xea: {  	v3 =	vand.u32 $0x7, v3;
	v4 =	vand.u32 $0xFFFFFFE0, v60  }
0xeb: {  	v3 =	vor.u32 v3, v4  }
0xec: {  	v4 =	vperm.xlane v3, v0;
	_ =	sdelay $0x1  }
0xed: {  	v4 =	vadd.s32 v1, v4;
	_ =	sdelay $0x1  }
0xee: {  	v3 =	vperm.xlane v3, v2;
	_ =	sdelay $0x1  }
0xef: {  	v3 =	vadd.s32 v1, v3  }
0xf0: {  	[tilespmem:s25], [sflag:$0x2] =	stream.indirect_vreg.gather [hbm4b:s3+s2], $0x80, v4, vm0, $0xb8;
	[tilespmem:$0x10200] =	vst v63  }
0xf1: {  	_ = 	snop  }
0xf2: {  	[tilespmem:s26], [sflag:$0x2] =	stream.indirect_vreg.gather [hbm4b:s5+s2], $0x80, v4, vm0, $0xb8;
	[tilespmem:$0x10200] =	vst v63  }
0xf3: {  	_ = 	snop  }
0xf4: {  	[tilespmem:s28], [sflag:$0x2] =	stream.indirect_vreg.gather [hbm4b:s3+s2], $0x80, v3, vm0, $0xb8;
	[tilespmem:$0x10200] =	vst v63  }
0xf5: {  	_ = 	snop  }
0xf6: {  	[tilespmem:s29], [sflag:$0x2] =	stream.indirect_vreg.gather [hbm4b:s5+s2], $0x80, v3, vm0, $0xb8;
	[tilespmem:$0x10200] =	vst v63  }
0xf7: {  	v3 =	vld [tilespmem:s19+$0xFFFFFFE0];
	_ =	sdelay $0x4  }
0xf8: {  	v61 =	vshll.u32 v3, $0x2  }
0xf9: {  	v3 =	vand.u32 $0x7, v3;
	v4 =	vand.u32 $0xFFFFFFE0, v61  }
0xfa: {  	v3 =	vor.u32 v3, v4  }
0xfb: {  	v4 =	vperm.xlane v3, v0;
	_ =	sdelay $0x1  }
0xfc: {  	v4 =	vadd.s32 v1, v4;
	_ =	sdelay $0x1  }
0xfd: {  	v3 =	vperm.xlane v3, v2;
	_ =	sdelay $0x1  }
0xfe: {  	v3 =	vadd.s32 v1, v3  }
0xff: {  	[tilespmem:s30], [sflag:$0x2] =	stream.indirect_vreg.gather [hbm4b:s3+s2], $0x80, v4, vm0, $0xb8;
	[tilespmem:$0x10200] =	vst v63  }
0x100: {  	_ = 	snop  }
0x101: {  	[tilespmem:s31], [sflag:$0x2] =	stream.indirect_vreg.gather [hbm4b:s5+s2], $0x80, v4, vm0, $0xb8;
	[tilespmem:$0x10200] =	vst v63  }
0x102: {  	_ = 	snop  }
0x103: {  	[tilespmem:s0], [sflag:$0x2] =	stream.indirect_vreg.gather [hbm4b:s3+s2], $0x80, v3, vm0, $0xb8;
	[tilespmem:$0x10200] =	vst v63  }
0x104: {  	_ = 	snop  }
0x105: {  	[tilespmem:s1], [sflag:$0x2] =	stream.indirect_vreg.gather [hbm4b:s5+s2], $0x80, v3, vm0, $0xb8;
	[tilespmem:$0x10200] =	vst v63  }
0x106: {  	v3 =	vld [tilespmem:s19+$0xFFFFFFF0];
	_ =	sdelay $0x4  }
0x107: {  	v62 =	vshll.u32 v3, $0x2  }
0x108: {  	v3 =	vand.u32 $0x7, v3;
	v4 =	vand.u32 $0xFFFFFFE0, v62  }
0x109: {  	v3 =	vor.u32 v3, v4  }
0x10a: {  	v4 =	vperm.xlane v3, v0;
	_ =	sdelay $0x1  }
0x10b: {  	v4 =	vadd.s32 v1, v4;
	_ =	sdelay $0x1  }
0x10c: {  	v3 =	vperm.xlane v3, v2;
	_ =	sdelay $0x1  }
0x10d: {  	v3 =	vadd.s32 v1, v3  }
0x10e: {  	[tilespmem:s4], [sflag:$0x2] =	stream.indirect_vreg.gather [hbm4b:s3+s2], $0x80, v4, vm0, $0xb8;
	[tilespmem:$0x10200] =	vst v63  }
0x10f: {  	_ = 	snop  }
0x110: {  	[tilespmem:s6], [sflag:$0x2] =	stream.indirect_vreg.gather [hbm4b:s5+s2], $0x80, v4, vm0, $0xb8;
	[tilespmem:$0x10200] =	vst v63  }
0x111: {  	_ = 	snop  }
0x112: {  	[tilespmem:s8], [sflag:$0x2] =	stream.indirect_vreg.gather [hbm4b:s3+s2], $0x80, v3, vm0, $0xb8;
	[tilespmem:$0x10200] =	vst v63  }
0x113: {  	_ = 	snop  }
0x114: {  	[tilespmem:s10], [sflag:$0x2] =	stream.indirect_vreg.gather [hbm4b:s5+s2], $0x80, v3, vm0, $0xb8;
	[tilespmem:$0x10200] =	vst v63  }
0x115: {  	v3 =	vld [tilespmem:s19+$0x0];
	_ =	sdelay $0x4  }
0x116: {  	v63 =	vshll.u32 v3, $0x2  }
0x117: {  	v3 =	vand.u32 $0x7, v3;
	v4 =	vand.u32 $0xFFFFFFE0, v63  }
0x118: {  	v3 =	vor.u32 v3, v4  }
0x119: {  	v4 =	vperm.xlane v3, v0;
	_ =	sdelay $0x1  }
0x11a: {  	v4 =	vadd.s32 v1, v4;
	_ =	sdelay $0x2  }
0x11b: {  	v3 =	vperm.xlane v3, v2;
	_ =	sdelay $0x1  }
0x11c: {  	v3 =	vadd.s32 v1, v3;
	[tilespmem:s11], [sflag:$0x2] =	stream.indirect_vreg.gather [hbm4b:s3+s2], $0x80, v4, vm0, $0xb8;
	[tilespmem:$0x10200] =	vst v63  }
0x11d: {  	_ = 	snop  }
0x11e: {  	[tilespmem:s12], [sflag:$0x2] =	stream.indirect_vreg.gather [hbm4b:s5+s2], $0x80, v4, vm0, $0xb8;
	[tilespmem:$0x10200] =	vst v63  }
.Ltmp3:
0x11f: {  	_ = 	snop;
	(pc) =	sbr.rel .LBB2_2-.Ltmp3, $4  }
0x120: {  	_ = 	snop  }
0x121: {  	[tilespmem:s13], [sflag:$0x2] =	stream.indirect_vreg.gather [hbm4b:s3+s2], $0x80, v3, vm0, $0xb8;
	[tilespmem:$0x10200] =	vst v63  }
0x122: {  	s20 =	sadd.s32 $0x2000, s20;
	s19 =	sadd.s32 $0x80, s19  }
0x123: {  	[tilespmem:s14], [sflag:$0x2] =	stream.indirect_vreg.gather [hbm4b:s5+s2], $0x80, v3, vm0, $0xb8;
	[tilespmem:$0x10200] =	vst v63  }
.LBB2_5:
0x124: {  	_ =	sfence.sel $0x180000  }
0x125: {  	[bflag:$0x0] =	sbarrier.arrive $0xFFFF  }
0x126: {  	_ =	strace $0x90000047  }
0x127: {  	s0 =	stileid.u32;
	[bflag:$0x2] =	sbarrier.arrive $0xFFFF  }
0x128: {  	p0 =	sne.s32 s0, $0x0;
	s0 =	rddreg [dreg:$0x2]  }
0x129: {  	s0 =	sadd.s32 @!p0 $0x100000, s0  }
0x12a: {  	[sflag:s0] =	ssyncadd.tile.s32 @!p0 $0x1;
	_ =	shalt  }
.Lfunc_end2:
_tile_overlayer_lowered:
.L_overlay_start_2:
0x12b: {  	(tag) =	ssettag $0x2  }
0x12c: {  	s0 =	rddreg [dreg:$0x0];
	s2 =	stileid.u32  }
0x12d: {  	s1 =	rddreg [dreg:$0x1];
	p0 =	sne.s32 s2, $0x0  }
0x12e: {  	s3 =	rddreg [dreg:$0x2];
	[bflag:$0x3] =	sbarrier.arrive $0xFFFF;
	s2 =	simm.s32 @!p0 $0x1C05  }
0x12f: {  	[timem:s3], [sflag:s2] =	dma.local @!p0 [hbm:s0], s1  }
0x130: {  	s0 =	simm.s32 @!p0 $0x5  }
0x131: {  	_ =	swait.ge @!p0 [sflag:s0], s1  }
0x132: {  	s1 =	ssub.s32 @!p0 $0x0, s1;
	[sflag:s0] =	ssyncset.done @!p0 $0x0  }
0x133: {  	[sflag:s0] =	ssyncadd.s32 @!p0 s1  }
0x134: {  	[bflag:$0x3] =	sbarrier.arrive $0xFFFF  }
0x135: {  	_ =	shalt  }

</sc_bundles>
